<compile_context>
chip_gen: v7x
topology: tpu7x:2x2x1
jax: 0.10.2.dev20260603
libtpu: 0.0.44.dev20260713+nightly
codegen_flags: <defaults>
</compile_context>

<pallas_src>
import dataclasses
import jax
import jax.numpy as jnp
from jax import lax
from jax.experimental import pallas as pl
from jax.experimental.pallas import tpu as pltpu
from jax.experimental.pallas import tpu_sc as plsc

SEQ = 2048
DIM = 4096
NW = 32
ROWS_PER_W = SEQ // NW
CH = 8
NCH = ROWS_PER_W // CH


def _sc_body(m_hbm, a_hbm, x_hbm, o_hbm,
             m_vmem, buf0, buf1, si0, si1, so0, so1, sm):
    wid = lax.axis_index("s") * 2 + lax.axis_index("c")
    base = wid * ROWS_PER_W
    pltpu.async_copy(m_hbm.at[pl.ds(base, ROWS_PER_W)], m_vmem, sm).wait()
    lanes = lax.broadcasted_iota(jnp.int32, (16,), 0)

    bufs = (buf0, buf1)
    sin = (si0, si1)
    sout = (so0, so1)

    def chunk_rows(c):
        return pl.ds(base + c * CH, CH)

    def start_in(c):
        pltpu.make_async_copy(
            a_hbm.at[chunk_rows(c), :], bufs[c % 2], sin[c % 2]).start()

    start_in(0)
    for c in range(NCH):
        b = c % 2
        nb = (c + 1) % 2
        if c + 1 < NCH:
            if c >= 1:
                pltpu.make_async_copy(
                    a_hbm.at[chunk_rows(c - 1), :], bufs[nb], sout[nb]).wait()
            start_in(c + 1)
        pltpu.make_async_copy(
            a_hbm.at[chunk_rows(c), :], bufs[b], sin[b]).wait()

        g = c // 2
        mg = m_vmem[pl.ds(g * 16, 16)]
        half = (c % 2) * CH
        s = jnp.sum(jnp.where((lanes >= half) & (lanes < half + CH), mg, 0),
                    axis=0)

        @pl.when(s != CH)
        def _():
            @pl.loop(0, CH)
            def _(r):
                mr = jnp.sum(jnp.where(lanes == half + r, mg, 0), axis=0)

                @pl.when(mr == 0)
                def _():
                    pltpu.sync_copy(
                        x_hbm.at[pl.ds(base + c * CH + r, 1), :],
                        bufs[b].at[pl.ds(r, 1), :])

        pltpu.make_async_copy(
            bufs[b], o_hbm.at[chunk_rows(c), :], sout[b]).start()

    pltpu.make_async_copy(
        bufs[(NCH - 2) % 2],
        o_hbm.at[chunk_rows(NCH - 2), :], sout[(NCH - 2) % 2]).wait()
    pltpu.make_async_copy(
        bufs[(NCH - 1) % 2],
        o_hbm.at[chunk_rows(NCH - 1), :], sout[(NCH - 1) % 2]).wait()


def kernel(x, attack, attack_mask):
    x2 = x.reshape(SEQ, DIM)
    a2 = attack.reshape(SEQ, DIM)
    m1 = attack_mask.reshape(SEQ).astype(jnp.int32)
    mesh = plsc.VectorSubcoreMesh(core_axis_name="c", subcore_axis_name="s")
    cp = pltpu.CompilerParams()
    if "needs_layout_passes" in pltpu.CompilerParams.__dataclass_fields__:
        cp = dataclasses.replace(cp, needs_layout_passes=False)
    k = pl.kernel(
        _sc_body,
        out_type=jax.ShapeDtypeStruct((SEQ, DIM), x.dtype),
        mesh=mesh,
        scratch_types=[
            pltpu.VMEM((ROWS_PER_W,), jnp.int32),
            pltpu.VMEM((CH, DIM), jnp.float32),
            pltpu.VMEM((CH, DIM), jnp.float32),
            pltpu.SemaphoreType.DMA,
            pltpu.SemaphoreType.DMA,
            pltpu.SemaphoreType.DMA,
            pltpu.SemaphoreType.DMA,
            pltpu.SemaphoreType.DMA,
        ],
        compiler_params=cp,
    )
    out = k(m1, a2, x2)
    return out.reshape(1, SEQ, DIM)

# --- scband reference (transcript-rebuilt; emitter-appended) ---
"""Pipeline reference for scband-gdadversary-747324309841 (READ-ONLY COPY).

The authoritative reference and input builder live on the scoring server;
editing this copy changes nothing except your own understanding.
"""

import jax, jax.numpy as jnp
import numpy as np

SEQ = 2048
DIM = 4096

def setup_inputs(seed: int = 0) -> dict:
    key = jax.random.key(seed)
    k1, k2 = jax.random.split(key)
    x = jax.random.normal(k1, (1, SEQ, DIM), dtype=jnp.float32)
    # learned parameter: attack, initialized (in torch) from random rows of the
    # embedding space; random normal rows are statistically equivalent here
    attack = jax.random.normal(k2, (1, SEQ, DIM), dtype=jnp.float32) * 0.02
    attack_mask = jnp.ones((1, SEQ), dtype=bool)
    return {"x": x, "attack": attack, "attack_mask": attack_mask}

def reference(x, attack, attack_mask):
    # GDAdversary.forward, branch x.shape[0] == 1 and
    # x.shape[1] == attack_mask.shape[1]:
    #   perturbed_acts = attack[attack_mask].to(x.dtype)
    #   x[attack_mask] = perturbed_acts
    # i.e. a boolean-masked scatter-overwrite of attack rows into x.
    perturbed = attack.astype(x.dtype)
    out = jnp.where(attack_mask[:, :, None], perturbed, x)
    return out

if __name__ == "__main__":
    import jax
    _d = setup_inputs()
    print(jax.jit(kernel)(*tuple(_d.values())))

</pallas_src>

<mosaic_0001>
#map = affine_map<(d0, d1) -> (0)>
#map1 = affine_map<(d0, d1) -> (0, 0)>
module attributes {stable_mosaic.version = 14 : i64} {
  func.func @_sc_body(%arg0: i32, %arg1: i32, %arg2: memref<2048xi32, #tpu.memory_space<hbm>>, %arg3: memref<2048x4096xf32, #tpu.memory_space<hbm>>, %arg4: memref<2048x4096xf32, #tpu.memory_space<hbm>>, %arg5: memref<2048x4096xf32, #tpu.memory_space<hbm>>, %arg6: memref<64xi32, #tpu.memory_space<vmem>>, %arg7: memref<8x4096xf32, #tpu.memory_space<vmem>>, %arg8: memref<8x4096xf32, #tpu.memory_space<vmem>>, %arg9: memref<!tpu.dma_semaphore, #tpu.memory_space<semaphore_mem>>, %arg10: memref<!tpu.dma_semaphore, #tpu.memory_space<semaphore_mem>>, %arg11: memref<!tpu.dma_semaphore, #tpu.memory_space<semaphore_mem>>, %arg12: memref<!tpu.dma_semaphore, #tpu.memory_space<semaphore_mem>>, %arg13: memref<!tpu.dma_semaphore, #tpu.memory_space<semaphore_mem>>) attributes {dimension_semantics = [#tpu.dimension_semantics<core_parallel>, #tpu.dimension_semantics<subcore_parallel>], iteration_bounds = array<i64: 2, 16>, scalar_prefetch = 0 : i64, scratch_operands = 8 : i64, tpu.core_type = #tpu.core_type<sc_vector_subcore>, window_params = [{transform_indices = #map}, {transform_indices = #map1}, {transform_indices = #map1}, {transform_indices = #map1}]} {
    %mul3A = arith.constant 2 : i32
    %mul3A_0 = arith.muli %arg1, %mul3A : i32
    %add3A = arith.addi %mul3A_0, %arg0 : i32
    %mul3A_1 = arith.constant 64 : i32
    %mul3A_2 = arith.muli %add3A, %mul3A_1 : i32
    %dma_start3A = tpu.memref_slice %arg2[%mul3A_2] : memref<2048xi32, #tpu.memory_space<hbm>> -> memref<64xi32, #tpu.memory_space<hbm>>
    %dma_start3A_3 = tpu.memref_slice %arg2[%mul3A_2] : memref<2048xi32, #tpu.memory_space<hbm>> -> memref<64xi32, #tpu.memory_space<hbm>>
    tpu.enqueue_dma source(%dma_start3A_3 : memref<64xi32, #tpu.memory_space<hbm>>) target(%arg6 : memref<64xi32, #tpu.memory_space<vmem>>) target_semaphore(%arg13 : memref<!tpu.dma_semaphore, #tpu.memory_space<semaphore_mem>>)
    %dma_wait3A = tpu.memref_slice %arg2[%mul3A_2] : memref<2048xi32, #tpu.memory_space<hbm>> -> memref<64xi32, #tpu.memory_space<hbm>>
    %dma_wait3A_4 = tpu.memref_slice %arg2[%mul3A_2] : memref<2048xi32, #tpu.memory_space<hbm>> -> memref<64xi32, #tpu.memory_space<hbm>>
    tpu.wait_dma2 semaphore(%arg13 : memref<!tpu.dma_semaphore, #tpu.memory_space<semaphore_mem>>) src(%dma_wait3A_4 : memref<64xi32, #tpu.memory_space<hbm>>) dst(%arg6 : memref<64xi32, #tpu.memory_space<vmem>>)
    %iota3A = tpu.iota {dimensions = array<i32: 0>} : vector<16xi32>
    %add3A_5 = arith.constant 0 : i32
    %add3A_6 = arith.addi %mul3A_2, %add3A_5 : i32
    %dma_start3A_7 = arith.constant 0 : i32
    %dma_start3A_8 = tpu.memref_slice %arg3[%add3A_6, %dma_start3A_7] : memref<2048x4096xf32, #tpu.memory_space<hbm>> -> memref<8x4096xf32, #tpu.memory_space<hbm>>
    %dma_start3A_9 = arith.constant 0 : i32
    %dma_start3A_10 = tpu.memref_slice %arg3[%add3A_6, %dma_start3A_9] : memref<2048x4096xf32, #tpu.memory_space<hbm>> -> memref<8x4096xf32, #tpu.memory_space<hbm>>
    tpu.enqueue_dma source(%dma_start3A_10 : memref<8x4096xf32, #tpu.memory_space<hbm>>) target(%arg7 : memref<8x4096xf32, #tpu.memory_space<vmem>>) target_semaphore(%arg9 : memref<!tpu.dma_semaphore, #tpu.memory_space<semaphore_mem>>)
    %add3A_11 = arith.constant 8 : i32
    %add3A_12 = arith.addi %mul3A_2, %add3A_11 : i32
    %dma_start3A_13 = arith.constant 0 : i32
    %dma_start3A_14 = tpu.memref_slice %arg3[%add3A_12, %dma_start3A_13] : memref<2048x4096xf32, #tpu.memory_space<hbm>> -> memref<8x4096xf32, #tpu.memory_space<hbm>>
    %dma_start3A_15 = arith.constant 0 : i32
    %dma_start3A_16 = tpu.memref_slice %arg3[%add3A_12, %dma_start3A_15] : memref<2048x4096xf32, #tpu.memory_space<hbm>> -> memref<8x4096xf32, #tpu.memory_space<hbm>>
    tpu.enqueue_dma source(%dma_start3A_16 : memref<8x4096xf32, #tpu.memory_space<hbm>>) target(%arg8 : memref<8x4096xf32, #tpu.memory_space<vmem>>) target_semaphore(%arg10 : memref<!tpu.dma_semaphore, #tpu.memory_space<semaphore_mem>>)
    %add3A_17 = arith.constant 0 : i32
    %add3A_18 = arith.addi %mul3A_2, %add3A_17 : i32
    %dma_wait3A_19 = arith.constant 0 : i32
    %dma_wait3A_20 = tpu.memref_slice %arg3[%add3A_18, %dma_wait3A_19] : memref<2048x4096xf32, #tpu.memory_space<hbm>> -> memref<8x4096xf32, #tpu.memory_space<hbm>>
    %dma_wait3A_21 = arith.constant 0 : i32
    %dma_wait3A_22 = tpu.memref_slice %arg3[%add3A_18, %dma_wait3A_21] : memref<2048x4096xf32, #tpu.memory_space<hbm>> -> memref<8x4096xf32, #tpu.memory_space<hbm>>
    tpu.wait_dma2 semaphore(%arg9 : memref<!tpu.dma_semaphore, #tpu.memory_space<semaphore_mem>>) src(%dma_wait3A_22 : memref<8x4096xf32, #tpu.memory_space<hbm>>) dst(%arg7 : memref<8x4096xf32, #tpu.memory_space<vmem>>)
    %get3A = arith.constant 0 : index
    %get3A_23 = tpu.vector_load %arg6[%get3A] {strides = array<i32>} : memref<64xi32, #tpu.memory_space<vmem>>, vector<16xi32>,
    %ge3A = arith.constant 0 : i32
    %ge3A_24 = vector.broadcast %ge3A : i32 to vector<16xi32>
    %ge3A_25 = arith.cmpi sge, %iota3A, %ge3A_24 : vector<16xi32>
    %lt3A = arith.constant 8 : i32
    %lt3A_26 = vector.broadcast %lt3A : i32 to vector<16xi32>
    %lt3A_27 = arith.cmpi slt, %iota3A, %lt3A_26 : vector<16xi32>
    %and3A = arith.andi %ge3A_25, %lt3A_27 : vector<16xi1>
    %jit3A = arith.constant 0 : i32
    %broadcast_in_dim3A = vector.broadcast %jit3A : i32 to vector<16xi32>
    %select_n3A = arith.select %and3A, %get3A_23, %broadcast_in_dim3A : vector<16xi1>, vector<16xi32>
    %reduce_sum3A = arith.constant true
    %reduce_sum3A_28 = vector.broadcast %reduce_sum3A : i1 to vector<16xi1>
    %reduce_sum3A_29 = tpu.scan <sum>, %select_n3A masked %reduce_sum3A_28 : vector<16xi32>, vector<16xi1> -> vector<16xi32>
    %reduce_sum3A_30 = vector.extract %reduce_sum3A_29[15] : i32 from vector<16xi32>
    %ne3A = arith.constant 8 : i32
    %ne3A_31 = arith.cmpi ne, %reduce_sum3A_30, %ne3A : i32
    %convert_element_type3A = arith.extui %ne3A_31 : i1 to i32
    %cond3A = arith.constant 0 : i32
    %cond3A_32 = arith.cmpi ne, %convert_element_type3A, %cond3A : i32
    scf.if %cond3A_32 {
      %scan3A = arith.constant 0 : i32
      %scan3A_354 = arith.constant 8 : i32
      %scan3A_355 = arith.addi %scan3A, %scan3A_354 : i32
      %scan3A_356 = arith.constant 1 : i32
      scf.for %scan3A_358 = %scan3A to %scan3A_355 step %scan3A_356  : i32 {
        %mul3A_359 = arith.constant 1 : i32
        %mul3A_360 = arith.muli %scan3A_358, %mul3A_359 : i32
        %add3A_361 = arith.constant 0 : i32
        %add3A_362 = arith.addi %add3A_361, %mul3A_360 : i32
        %add3A_363 = arith.constant 0 : i32
        %add3A_364 = arith.addi %add3A_363, %add3A_362 : i32
        %eq3A = vector.broadcast %add3A_364 : i32 to vector<16xi32>
        %eq3A_365 = arith.cmpi eq, %iota3A, %eq3A : vector<16xi32>
        %jit3A_366 = arith.constant 0 : i32
        %broadcast_in_dim3A_367 = vector.broadcast %jit3A_366 : i32 to vector<16xi32>
        %select_n3A_368 = arith.select %eq3A_365, %get3A_23, %broadcast_in_dim3A_367 : vector<16xi1>, vector<16xi32>
        %reduce_sum3A_369 = arith.constant true
        %reduce_sum3A_370 = vector.broadcast %reduce_sum3A_369 : i1 to vector<16xi1>
        %reduce_sum3A_371 = tpu.scan <sum>, %select_n3A_368 masked %reduce_sum3A_370 : vector<16xi32>, vector<16xi1> -> vector<16xi32>
        %reduce_sum3A_372 = vector.extract %reduce_sum3A_371[15] : i32 from vector<16xi32>
        %eq3A_373 = arith.constant 0 : i32
        %eq3A_374 = arith.cmpi eq, %reduce_sum3A_372, %eq3A_373 : i32
        %convert_element_type3A_375 = arith.extui %eq3A_374 : i1 to i32
        %cond3A_376 = arith.constant 0 : i32
        %cond3A_377 = arith.cmpi ne, %convert_element_type3A_375, %cond3A_376 : i32
        scf.if %cond3A_377 {
          %add3A_378 = arith.constant 0 : i32
          %add3A_379 = arith.addi %mul3A_2, %add3A_378 : i32
          %add3A_380 = arith.addi %add3A_379, %add3A_362 : i32
          "tpu.region"() ({
            %run_scoped3A = tpu.sem_alloc : memref<!tpu.dma_semaphore, #tpu.memory_space<semaphore_mem>>
            %dma_start3A_381 = arith.constant 0 : i32
            %dma_start3A_382 = tpu.memref_slice %arg7[%add3A_362, %dma_start3A_381] : memref<8x4096xf32, #tpu.memory_space<vmem>> -> memref<1x4096xf32, #tpu.memory_space<vmem>>
            %dma_start3A_383 = arith.constant 0 : i32
            %dma_start3A_384 = tpu.memref_slice %arg4[%add3A_380, %dma_start3A_383] : memref<2048x4096xf32, #tpu.memory_space<hbm>> -> memref<1x4096xf32, #tpu.memory_space<hbm>>
            %dma_start3A_385 = arith.constant 0 : i32
            %dma_start3A_386 = tpu.memref_slice %arg7[%add3A_362, %dma_start3A_385] : memref<8x4096xf32, #tpu.memory_space<vmem>> -> memref<1x4096xf32, #tpu.memory_space<vmem>>
            %dma_start3A_387 = arith.constant 0 : i32
            %dma_start3A_388 = tpu.memref_slice %arg4[%add3A_380, %dma_start3A_387] : memref<2048x4096xf32, #tpu.memory_space<hbm>> -> memref<1x4096xf32, #tpu.memory_space<hbm>>
            tpu.enqueue_dma source(%dma_start3A_388 : memref<1x4096xf32, #tpu.memory_space<hbm>>) target(%dma_start3A_386 : memref<1x4096xf32, #tpu.memory_space<vmem>>) target_semaphore(%run_scoped3A : memref<!tpu.dma_semaphore, #tpu.memory_space<semaphore_mem>>)
            %dma_wait3A_389 = arith.constant 0 : i32
            %dma_wait3A_390 = tpu.memref_slice %arg7[%add3A_362, %dma_wait3A_389] : memref<8x4096xf32, #tpu.memory_space<vmem>> -> memref<1x4096xf32, #tpu.memory_space<vmem>>
            %dma_wait3A_391 = arith.constant 0 : i32
            %dma_wait3A_392 = tpu.memref_slice %arg4[%add3A_380, %dma_wait3A_391] : memref<2048x4096xf32, #tpu.memory_space<hbm>> -> memref<1x4096xf32, #tpu.memory_space<hbm>>
            %dma_wait3A_393 = arith.constant 0 : i32
            %dma_wait3A_394 = tpu.memref_slice %arg7[%add3A_362, %dma_wait3A_393] : memref<8x4096xf32, #tpu.memory_space<vmem>> -> memref<1x4096xf32, #tpu.memory_space<vmem>>
            %dma_wait3A_395 = arith.constant 0 : i32
            %dma_wait3A_396 = tpu.memref_slice %arg4[%add3A_380, %dma_wait3A_395] : memref<2048x4096xf32, #tpu.memory_space<hbm>> -> memref<1x4096xf32, #tpu.memory_space<hbm>>
            tpu.wait_dma2 semaphore(%run_scoped3A : memref<!tpu.dma_semaphore, #tpu.memory_space<semaphore_mem>>) src(%dma_wait3A_396 : memref<1x4096xf32, #tpu.memory_space<hbm>>) dst(%dma_wait3A_394 : memref<1x4096xf32, #tpu.memory_space<vmem>>)
            tpu.yield
          }) : () -> ()
        } else {
        }
      }
      %scan3A_357 = arith.constant 8 : i32
    } else {
    }
    %add3A_33 = arith.constant 0 : i32
    %add3A_34 = arith.addi %mul3A_2, %add3A_33 : i32
    %dma_start3A_35 = arith.constant 0 : i32
    %dma_start3A_36 = tpu.memref_slice %arg5[%add3A_34, %dma_start3A_35] : memref<2048x4096xf32, #tpu.memory_space<hbm>> -> memref<8x4096xf32, #tpu.memory_space<hbm>>
    %dma_start3A_37 = arith.constant 0 : i32
    %dma_start3A_38 = tpu.memref_slice %arg5[%add3A_34, %dma_start3A_37] : memref<2048x4096xf32, #tpu.memory_space<hbm>> -> memref<8x4096xf32, #tpu.memory_space<hbm>>
    tpu.enqueue_dma source(%arg7 : memref<8x4096xf32, #tpu.memory_space<vmem>>) target(%dma_start3A_38 : memref<8x4096xf32, #tpu.memory_space<hbm>>) target_semaphore(%arg11 : memref<!tpu.dma_semaphore, #tpu.memory_space<semaphore_mem>>)
    %add3A_39 = arith.constant 0 : i32
    %add3A_40 = arith.addi %mul3A_2, %add3A_39 : i32
    %dma_wait3A_41 = arith.constant 0 : i32
    %dma_wait3A_42 = tpu.memref_slice %arg3[%add3A_40, %dma_wait3A_41] : memref<2048x4096xf32, #tpu.memory_space<hbm>> -> memref<8x4096xf32, #tpu.memory_space<hbm>>
    %dma_wait3A_43 = arith.constant 0 : i32
    %dma_wait3A_44 = tpu.memref_slice %arg3[%add3A_40, %dma_wait3A_43] : memref<2048x4096xf32, #tpu.memory_space<hbm>> -> memref<8x4096xf32, #tpu.memory_space<hbm>>
    tpu.wait_dma2 semaphore(%arg11 : memref<!tpu.dma_semaphore, #tpu.memory_space<semaphore_mem>>) src(%dma_wait3A_44 : memref<8x4096xf32, #tpu.memory_space<hbm>>) dst(%arg7 : memref<8x4096xf32, #tpu.memory_space<vmem>>)
    %add3A_45 = arith.constant 16 : i32
    %add3A_46 = arith.addi %mul3A_2, %add3A_45 : i32
    %dma_start3A_47 = arith.constant 0 : i32
    %dma_start3A_48 = tpu.memref_slice %arg3[%add3A_46, %dma_start3A_47] : memref<2048x4096xf32, #tpu.memory_space<hbm>> -> memref<8x4096xf32, #tpu.memory_space<hbm>>
    %dma_start3A_49 = arith.constant 0 : i32
    %dma_start3A_50 = tpu.memref_slice %arg3[%add3A_46, %dma_start3A_49] : memref<2048x4096xf32, #tpu.memory_space<hbm>> -> memref<8x4096xf32, #tpu.memory_space<hbm>>
    tpu.enqueue_dma source(%dma_start3A_50 : memref<8x4096xf32, #tpu.memory_space<hbm>>) target(%arg7 : memref<8x4096xf32, #tpu.memory_space<vmem>>) target_semaphore(%arg9 : memref<!tpu.dma_semaphore, #tpu.memory_space<semaphore_mem>>)
    %add3A_51 = arith.constant 8 : i32
    %add3A_52 = arith.addi %mul3A_2, %add3A_51 : i32
    %dma_wait3A_53 = arith.constant 0 : i32
    %dma_wait3A_54 = tpu.memref_slice %arg3[%add3A_52, %dma_wait3A_53] : memref<2048x4096xf32, #tpu.memory_space<hbm>> -> memref<8x4096xf32, #tpu.memory_space<hbm>>
    %dma_wait3A_55 = arith.constant 0 : i32
    %dma_wait3A_56 = tpu.memref_slice %arg3[%add3A_52, %dma_wait3A_55] : memref<2048x4096xf32, #tpu.memory_space<hbm>> -> memref<8x4096xf32, #tpu.memory_space<hbm>>
    tpu.wait_dma2 semaphore(%arg10 : memref<!tpu.dma_semaphore, #tpu.memory_space<semaphore_mem>>) src(%dma_wait3A_56 : memref<8x4096xf32, #tpu.memory_space<hbm>>) dst(%arg8 : memref<8x4096xf32, #tpu.memory_space<vmem>>)
    %get3A_57 = arith.constant 0 : index
    %get3A_58 = tpu.vector_load %arg6[%get3A_57] {strides = array<i32>} : memref<64xi32, #tpu.memory_space<vmem>>, vector<16xi32>,
    %ge3A_59 = arith.constant 8 : i32
    %ge3A_60 = vector.broadcast %ge3A_59 : i32 to vector<16xi32>
    %ge3A_61 = arith.cmpi sge, %iota3A, %ge3A_60 : vector<16xi32>
    %lt3A_62 = arith.constant 16 : i32
    %lt3A_63 = vector.broadcast %lt3A_62 : i32 to vector<16xi32>
    %lt3A_64 = arith.cmpi slt, %iota3A, %lt3A_63 : vector<16xi32>
    %and3A_65 = arith.andi %ge3A_61, %lt3A_64 : vector<16xi1>
    %jit3A_66 = arith.constant 0 : i32
    %broadcast_in_dim3A_67 = vector.broadcast %jit3A_66 : i32 to vector<16xi32>
    %select_n3A_68 = arith.select %and3A_65, %get3A_58, %broadcast_in_dim3A_67 : vector<16xi1>, vector<16xi32>
    %reduce_sum3A_69 = arith.constant true
    %reduce_sum3A_70 = vector.broadcast %reduce_sum3A_69 : i1 to vector<16xi1>
    %reduce_sum3A_71 = tpu.scan <sum>, %select_n3A_68 masked %reduce_sum3A_70 : vector<16xi32>, vector<16xi1> -> vector<16xi32>
    %reduce_sum3A_72 = vector.extract %reduce_sum3A_71[15] : i32 from vector<16xi32>
    %ne3A_73 = arith.constant 8 : i32
    %ne3A_74 = arith.cmpi ne, %reduce_sum3A_72, %ne3A_73 : i32
    %convert_element_type3A_75 = arith.extui %ne3A_74 : i1 to i32
    %cond3A_76 = arith.constant 0 : i32
    %cond3A_77 = arith.cmpi ne, %convert_element_type3A_75, %cond3A_76 : i32
    scf.if %cond3A_77 {
      %scan3A = arith.constant 0 : i32
      %scan3A_354 = arith.constant 8 : i32
      %scan3A_355 = arith.addi %scan3A, %scan3A_354 : i32
      %scan3A_356 = arith.constant 1 : i32
      scf.for %scan3A_358 = %scan3A to %scan3A_355 step %scan3A_356  : i32 {
        %mul3A_359 = arith.constant 1 : i32
        %mul3A_360 = arith.muli %scan3A_358, %mul3A_359 : i32
        %add3A_361 = arith.constant 0 : i32
        %add3A_362 = arith.addi %add3A_361, %mul3A_360 : i32
        %add3A_363 = arith.constant 8 : i32
        %add3A_364 = arith.addi %add3A_363, %add3A_362 : i32
        %eq3A = vector.broadcast %add3A_364 : i32 to vector<16xi32>
        %eq3A_365 = arith.cmpi eq, %iota3A, %eq3A : vector<16xi32>
        %jit3A_366 = arith.constant 0 : i32
        %broadcast_in_dim3A_367 = vector.broadcast %jit3A_366 : i32 to vector<16xi32>
        %select_n3A_368 = arith.select %eq3A_365, %get3A_58, %broadcast_in_dim3A_367 : vector<16xi1>, vector<16xi32>
        %reduce_sum3A_369 = arith.constant true
        %reduce_sum3A_370 = vector.broadcast %reduce_sum3A_369 : i1 to vector<16xi1>
        %reduce_sum3A_371 = tpu.scan <sum>, %select_n3A_368 masked %reduce_sum3A_370 : vector<16xi32>, vector<16xi1> -> vector<16xi32>
        %reduce_sum3A_372 = vector.extract %reduce_sum3A_371[15] : i32 from vector<16xi32>
        %eq3A_373 = arith.constant 0 : i32
        %eq3A_374 = arith.cmpi eq, %reduce_sum3A_372, %eq3A_373 : i32
        %convert_element_type3A_375 = arith.extui %eq3A_374 : i1 to i32
        %cond3A_376 = arith.constant 0 : i32
        %cond3A_377 = arith.cmpi ne, %convert_element_type3A_375, %cond3A_376 : i32
        scf.if %cond3A_377 {
          %add3A_378 = arith.constant 8 : i32
          %add3A_379 = arith.addi %mul3A_2, %add3A_378 : i32
          %add3A_380 = arith.addi %add3A_379, %add3A_362 : i32
          "tpu.region"() ({
            %run_scoped3A = tpu.sem_alloc : memref<!tpu.dma_semaphore, #tpu.memory_space<semaphore_mem>>
            %dma_start3A_381 = arith.constant 0 : i32
            %dma_start3A_382 = tpu.memref_slice %arg8[%add3A_362, %dma_start3A_381] : memref<8x4096xf32, #tpu.memory_space<vmem>> -> memref<1x4096xf32, #tpu.memory_space<vmem>>
            %dma_start3A_383 = arith.constant 0 : i32
            %dma_start3A_384 = tpu.memref_slice %arg4[%add3A_380, %dma_start3A_383] : memref<2048x4096xf32, #tpu.memory_space<hbm>> -> memref<1x4096xf32, #tpu.memory_space<hbm>>
            %dma_start3A_385 = arith.constant 0 : i32
            %dma_start3A_386 = tpu.memref_slice %arg8[%add3A_362, %dma_start3A_385] : memref<8x4096xf32, #tpu.memory_space<vmem>> -> memref<1x4096xf32, #tpu.memory_space<vmem>>
            %dma_start3A_387 = arith.constant 0 : i32
            %dma_start3A_388 = tpu.memref_slice %arg4[%add3A_380, %dma_start3A_387] : memref<2048x4096xf32, #tpu.memory_space<hbm>> -> memref<1x4096xf32, #tpu.memory_space<hbm>>
            tpu.enqueue_dma source(%dma_start3A_388 : memref<1x4096xf32, #tpu.memory_space<hbm>>) target(%dma_start3A_386 : memref<1x4096xf32, #tpu.memory_space<vmem>>) target_semaphore(%run_scoped3A : memref<!tpu.dma_semaphore, #tpu.memory_space<semaphore_mem>>)
            %dma_wait3A_389 = arith.constant 0 : i32
            %dma_wait3A_390 = tpu.memref_slice %arg8[%add3A_362, %dma_wait3A_389] : memref<8x4096xf32, #tpu.memory_space<vmem>> -> memref<1x4096xf32, #tpu.memory_space<vmem>>
            %dma_wait3A_391 = arith.constant 0 : i32
            %dma_wait3A_392 = tpu.memref_slice %arg4[%add3A_380, %dma_wait3A_391] : memref<2048x4096xf32, #tpu.memory_space<hbm>> -> memref<1x4096xf32, #tpu.memory_space<hbm>>
            %dma_wait3A_393 = arith.constant 0 : i32
            %dma_wait3A_394 = tpu.memref_slice %arg8[%add3A_362, %dma_wait3A_393] : memref<8x4096xf32, #tpu.memory_space<vmem>> -> memref<1x4096xf32, #tpu.memory_space<vmem>>
            %dma_wait3A_395 = arith.constant 0 : i32
            %dma_wait3A_396 = tpu.memref_slice %arg4[%add3A_380, %dma_wait3A_395] : memref<2048x4096xf32, #tpu.memory_space<hbm>> -> memref<1x4096xf32, #tpu.memory_space<hbm>>
            tpu.wait_dma2 semaphore(%run_scoped3A : memref<!tpu.dma_semaphore, #tpu.memory_space<semaphore_mem>>) src(%dma_wait3A_396 : memref<1x4096xf32, #tpu.memory_space<hbm>>) dst(%dma_wait3A_394 : memref<1x4096xf32, #tpu.memory_space<vmem>>)
            tpu.yield
          }) : () -> ()
        } else {
        }
      }
      %scan3A_357 = arith.constant 8 : i32
    } else {
    }
    %add3A_78 = arith.constant 8 : i32
    %add3A_79 = arith.addi %mul3A_2, %add3A_78 : i32
    %dma_start3A_80 = arith.constant 0 : i32
    %dma_start3A_81 = tpu.memref_slice %arg5[%add3A_79, %dma_start3A_80] : memref<2048x4096xf32, #tpu.memory_space<hbm>> -> memref<8x4096xf32, #tpu.memory_space<hbm>>
    %dma_start3A_82 = arith.constant 0 : i32
    %dma_start3A_83 = tpu.memref_slice %arg5[%add3A_79, %dma_start3A_82] : memref<2048x4096xf32, #tpu.memory_space<hbm>> -> memref<8x4096xf32, #tpu.memory_space<hbm>>
    tpu.enqueue_dma source(%arg8 : memref<8x4096xf32, #tpu.memory_space<vmem>>) target(%dma_start3A_83 : memref<8x4096xf32, #tpu.memory_space<hbm>>) target_semaphore(%arg12 : memref<!tpu.dma_semaphore, #tpu.memory_space<semaphore_mem>>)
    %add3A_84 = arith.constant 8 : i32
    %add3A_85 = arith.addi %mul3A_2, %add3A_84 : i32
    %dma_wait3A_86 = arith.constant 0 : i32
    %dma_wait3A_87 = tpu.memref_slice %arg3[%add3A_85, %dma_wait3A_86] : memref<2048x4096xf32, #tpu.memory_space<hbm>> -> memref<8x4096xf32, #tpu.memory_space<hbm>>
    %dma_wait3A_88 = arith.constant 0 : i32
    %dma_wait3A_89 = tpu.memref_slice %arg3[%add3A_85, %dma_wait3A_88] : memref<2048x4096xf32, #tpu.memory_space<hbm>> -> memref<8x4096xf32, #tpu.memory_space<hbm>>
    tpu.wait_dma2 semaphore(%arg12 : memref<!tpu.dma_semaphore, #tpu.memory_space<semaphore_mem>>) src(%dma_wait3A_89 : memref<8x4096xf32, #tpu.memory_space<hbm>>) dst(%arg8 : memref<8x4096xf32, #tpu.memory_space<vmem>>)
    %add3A_90 = arith.constant 24 : i32
    %add3A_91 = arith.addi %mul3A_2, %add3A_90 : i32
    %dma_start3A_92 = arith.constant 0 : i32
    %dma_start3A_93 = tpu.memref_slice %arg3[%add3A_91, %dma_start3A_92] : memref<2048x4096xf32, #tpu.memory_space<hbm>> -> memref<8x4096xf32, #tpu.memory_space<hbm>>
    %dma_start3A_94 = arith.constant 0 : i32
    %dma_start3A_95 = tpu.memref_slice %arg3[%add3A_91, %dma_start3A_94] : memref<2048x4096xf32, #tpu.memory_space<hbm>> -> memref<8x4096xf32, #tpu.memory_space<hbm>>
    tpu.enqueue_dma source(%dma_start3A_95 : memref<8x4096xf32, #tpu.memory_space<hbm>>) target(%arg8 : memref<8x4096xf32, #tpu.memory_space<vmem>>) target_semaphore(%arg10 : memref<!tpu.dma_semaphore, #tpu.memory_space<semaphore_mem>>)
    %add3A_96 = arith.constant 16 : i32
    %add3A_97 = arith.addi %mul3A_2, %add3A_96 : i32
    %dma_wait3A_98 = arith.constant 0 : i32
    %dma_wait3A_99 = tpu.memref_slice %arg3[%add3A_97, %dma_wait3A_98] : memref<2048x4096xf32, #tpu.memory_space<hbm>> -> memref<8x4096xf32, #tpu.memory_space<hbm>>
    %dma_wait3A_100 = arith.constant 0 : i32
    %dma_wait3A_101 = tpu.memref_slice %arg3[%add3A_97, %dma_wait3A_100] : memref<2048x4096xf32, #tpu.memory_space<hbm>> -> memref<8x4096xf32, #tpu.memory_space<hbm>>
    tpu.wait_dma2 semaphore(%arg9 : memref<!tpu.dma_semaphore, #tpu.memory_space<semaphore_mem>>) src(%dma_wait3A_101 : memref<8x4096xf32, #tpu.memory_space<hbm>>) dst(%arg7 : memref<8x4096xf32, #tpu.memory_space<vmem>>)
    %get3A_102 = arith.constant 16 : index
    %get3A_103 = tpu.vector_load %arg6[%get3A_102] {strides = array<i32>} : memref<64xi32, #tpu.memory_space<vmem>>, vector<16xi32>,
    %ge3A_104 = arith.constant 0 : i32
    %ge3A_105 = vector.broadcast %ge3A_104 : i32 to vector<16xi32>
    %ge3A_106 = arith.cmpi sge, %iota3A, %ge3A_105 : vector<16xi32>
    %lt3A_107 = arith.constant 8 : i32
    %lt3A_108 = vector.broadcast %lt3A_107 : i32 to vector<16xi32>
    %lt3A_109 = arith.cmpi slt, %iota3A, %lt3A_108 : vector<16xi32>
    %and3A_110 = arith.andi %ge3A_106, %lt3A_109 : vector<16xi1>
    %jit3A_111 = arith.constant 0 : i32
    %broadcast_in_dim3A_112 = vector.broadcast %jit3A_111 : i32 to vector<16xi32>
    %select_n3A_113 = arith.select %and3A_110, %get3A_103, %broadcast_in_dim3A_112 : vector<16xi1>, vector<16xi32>
    %reduce_sum3A_114 = arith.constant true
    %reduce_sum3A_115 = vector.broadcast %reduce_sum3A_114 : i1 to vector<16xi1>
    %reduce_sum3A_116 = tpu.scan <sum>, %select_n3A_113 masked %reduce_sum3A_115 : vector<16xi32>, vector<16xi1> -> vector<16xi32>
    %reduce_sum3A_117 = vector.extract %reduce_sum3A_116[15] : i32 from vector<16xi32>
    %ne3A_118 = arith.constant 8 : i32
    %ne3A_119 = arith.cmpi ne, %reduce_sum3A_117, %ne3A_118 : i32
    %convert_element_type3A_120 = arith.extui %ne3A_119 : i1 to i32
    %cond3A_121 = arith.constant 0 : i32
    %cond3A_122 = arith.cmpi ne, %convert_element_type3A_120, %cond3A_121 : i32
    scf.if %cond3A_122 {
      %scan3A = arith.constant 0 : i32
      %scan3A_354 = arith.constant 8 : i32
      %scan3A_355 = arith.addi %scan3A, %scan3A_354 : i32
      %scan3A_356 = arith.constant 1 : i32
      scf.for %scan3A_358 = %scan3A to %scan3A_355 step %scan3A_356  : i32 {
        %mul3A_359 = arith.constant 1 : i32
        %mul3A_360 = arith.muli %scan3A_358, %mul3A_359 : i32
        %add3A_361 = arith.constant 0 : i32
        %add3A_362 = arith.addi %add3A_361, %mul3A_360 : i32
        %add3A_363 = arith.constant 0 : i32
        %add3A_364 = arith.addi %add3A_363, %add3A_362 : i32
        %eq3A = vector.broadcast %add3A_364 : i32 to vector<16xi32>
        %eq3A_365 = arith.cmpi eq, %iota3A, %eq3A : vector<16xi32>
        %jit3A_366 = arith.constant 0 : i32
        %broadcast_in_dim3A_367 = vector.broadcast %jit3A_366 : i32 to vector<16xi32>
        %select_n3A_368 = arith.select %eq3A_365, %get3A_103, %broadcast_in_dim3A_367 : vector<16xi1>, vector<16xi32>
        %reduce_sum3A_369 = arith.constant true
        %reduce_sum3A_370 = vector.broadcast %reduce_sum3A_369 : i1 to vector<16xi1>
        %reduce_sum3A_371 = tpu.scan <sum>, %select_n3A_368 masked %reduce_sum3A_370 : vector<16xi32>, vector<16xi1> -> vector<16xi32>
        %reduce_sum3A_372 = vector.extract %reduce_sum3A_371[15] : i32 from vector<16xi32>
        %eq3A_373 = arith.constant 0 : i32
        %eq3A_374 = arith.cmpi eq, %reduce_sum3A_372, %eq3A_373 : i32
        %convert_element_type3A_375 = arith.extui %eq3A_374 : i1 to i32
        %cond3A_376 = arith.constant 0 : i32
        %cond3A_377 = arith.cmpi ne, %convert_element_type3A_375, %cond3A_376 : i32
        scf.if %cond3A_377 {
          %add3A_378 = arith.constant 16 : i32
          %add3A_379 = arith.addi %mul3A_2, %add3A_378 : i32
          %add3A_380 = arith.addi %add3A_379, %add3A_362 : i32
          "tpu.region"() ({
            %run_scoped3A = tpu.sem_alloc : memref<!tpu.dma_semaphore, #tpu.memory_space<semaphore_mem>>
            %dma_start3A_381 = arith.constant 0 : i32
            %dma_start3A_382 = tpu.memref_slice %arg7[%add3A_362, %dma_start3A_381] : memref<8x4096xf32, #tpu.memory_space<vmem>> -> memref<1x4096xf32, #tpu.memory_space<vmem>>
            %dma_start3A_383 = arith.constant 0 : i32
            %dma_start3A_384 = tpu.memref_slice %arg4[%add3A_380, %dma_start3A_383] : memref<2048x4096xf32, #tpu.memory_space<hbm>> -> memref<1x4096xf32, #tpu.memory_space<hbm>>
            %dma_start3A_385 = arith.constant 0 : i32
            %dma_start3A_386 = tpu.memref_slice %arg7[%add3A_362, %dma_start3A_385] : memref<8x4096xf32, #tpu.memory_space<vmem>> -> memref<1x4096xf32, #tpu.memory_space<vmem>>
            %dma_start3A_387 = arith.constant 0 : i32
            %dma_start3A_388 = tpu.memref_slice %arg4[%add3A_380, %dma_start3A_387] : memref<2048x4096xf32, #tpu.memory_space<hbm>> -> memref<1x4096xf32, #tpu.memory_space<hbm>>
            tpu.enqueue_dma source(%dma_start3A_388 : memref<1x4096xf32, #tpu.memory_space<hbm>>) target(%dma_start3A_386 : memref<1x4096xf32, #tpu.memory_space<vmem>>) target_semaphore(%run_scoped3A : memref<!tpu.dma_semaphore, #tpu.memory_space<semaphore_mem>>)
            %dma_wait3A_389 = arith.constant 0 : i32
            %dma_wait3A_390 = tpu.memref_slice %arg7[%add3A_362, %dma_wait3A_389] : memref<8x4096xf32, #tpu.memory_space<vmem>> -> memref<1x4096xf32, #tpu.memory_space<vmem>>
            %dma_wait3A_391 = arith.constant 0 : i32
            %dma_wait3A_392 = tpu.memref_slice %arg4[%add3A_380, %dma_wait3A_391] : memref<2048x4096xf32, #tpu.memory_space<hbm>> -> memref<1x4096xf32, #tpu.memory_space<hbm>>
            %dma_wait3A_393 = arith.constant 0 : i32
            %dma_wait3A_394 = tpu.memref_slice %arg7[%add3A_362, %dma_wait3A_393] : memref<8x4096xf32, #tpu.memory_space<vmem>> -> memref<1x4096xf32, #tpu.memory_space<vmem>>
            %dma_wait3A_395 = arith.constant 0 : i32
            %dma_wait3A_396 = tpu.memref_slice %arg4[%add3A_380, %dma_wait3A_395] : memref<2048x4096xf32, #tpu.memory_space<hbm>> -> memref<1x4096xf32, #tpu.memory_space<hbm>>
            tpu.wait_dma2 semaphore(%run_scoped3A : memref<!tpu.dma_semaphore, #tpu.memory_space<semaphore_mem>>) src(%dma_wait3A_396 : memref<1x4096xf32, #tpu.memory_space<hbm>>) dst(%dma_wait3A_394 : memref<1x4096xf32, #tpu.memory_space<vmem>>)
            tpu.yield
          }) : () -> ()
        } else {
        }
      }
      %scan3A_357 = arith.constant 8 : i32
    } else {
    }
    %add3A_123 = arith.constant 16 : i32
    %add3A_124 = arith.addi %mul3A_2, %add3A_123 : i32
    %dma_start3A_125 = arith.constant 0 : i32
    %dma_start3A_126 = tpu.memref_slice %arg5[%add3A_124, %dma_start3A_125] : memref<2048x4096xf32, #tpu.memory_space<hbm>> -> memref<8x4096xf32, #tpu.memory_space<hbm>>
    %dma_start3A_127 = arith.constant 0 : i32
    %dma_start3A_128 = tpu.memref_slice %arg5[%add3A_124, %dma_start3A_127] : memref<2048x4096xf32, #tpu.memory_space<hbm>> -> memref<8x4096xf32, #tpu.memory_space<hbm>>
    tpu.enqueue_dma source(%arg7 : memref<8x4096xf32, #tpu.memory_space<vmem>>) target(%dma_start3A_128 : memref<8x4096xf32, #tpu.memory_space<hbm>>) target_semaphore(%arg11 : memref<!tpu.dma_semaphore, #tpu.memory_space<semaphore_mem>>)
    %add3A_129 = arith.constant 16 : i32
    %add3A_130 = arith.addi %mul3A_2, %add3A_129 : i32
    %dma_wait3A_131 = arith.constant 0 : i32
    %dma_wait3A_132 = tpu.memref_slice %arg3[%add3A_130, %dma_wait3A_131] : memref<2048x4096xf32, #tpu.memory_space<hbm>> -> memref<8x4096xf32, #tpu.memory_space<hbm>>
    %dma_wait3A_133 = arith.constant 0 : i32
    %dma_wait3A_134 = tpu.memref_slice %arg3[%add3A_130, %dma_wait3A_133] : memref<2048x4096xf32, #tpu.memory_space<hbm>> -> memref<8x4096xf32, #tpu.memory_space<hbm>>
    tpu.wait_dma2 semaphore(%arg11 : memref<!tpu.dma_semaphore, #tpu.memory_space<semaphore_mem>>) src(%dma_wait3A_134 : memref<8x4096xf32, #tpu.memory_space<hbm>>) dst(%arg7 : memref<8x4096xf32, #tpu.memory_space<vmem>>)
    %add3A_135 = arith.constant 32 : i32
    %add3A_136 = arith.addi %mul3A_2, %add3A_135 : i32
    %dma_start3A_137 = arith.constant 0 : i32
    %dma_start3A_138 = tpu.memref_slice %arg3[%add3A_136, %dma_start3A_137] : memref<2048x4096xf32, #tpu.memory_space<hbm>> -> memref<8x4096xf32, #tpu.memory_space<hbm>>
    %dma_start3A_139 = arith.constant 0 : i32
    %dma_start3A_140 = tpu.memref_slice %arg3[%add3A_136, %dma_start3A_139] : memref<2048x4096xf32, #tpu.memory_space<hbm>> -> memref<8x4096xf32, #tpu.memory_space<hbm>>
    tpu.enqueue_dma source(%dma_start3A_140 : memref<8x4096xf32, #tpu.memory_space<hbm>>) target(%arg7 : memref<8x4096xf32, #tpu.memory_space<vmem>>) target_semaphore(%arg9 : memref<!tpu.dma_semaphore, #tpu.memory_space<semaphore_mem>>)
    %add3A_141 = arith.constant 24 : i32
    %add3A_142 = arith.addi %mul3A_2, %add3A_141 : i32
    %dma_wait3A_143 = arith.constant 0 : i32
    %dma_wait3A_144 = tpu.memref_slice %arg3[%add3A_142, %dma_wait3A_143] : memref<2048x4096xf32, #tpu.memory_space<hbm>> -> memref<8x4096xf32, #tpu.memory_space<hbm>>
    %dma_wait3A_145 = arith.constant 0 : i32
    %dma_wait3A_146 = tpu.memref_slice %arg3[%add3A_142, %dma_wait3A_145] : memref<2048x4096xf32, #tpu.memory_space<hbm>> -> memref<8x4096xf32, #tpu.memory_space<hbm>>
    tpu.wait_dma2 semaphore(%arg10 : memref<!tpu.dma_semaphore, #tpu.memory_space<semaphore_mem>>) src(%dma_wait3A_146 : memref<8x4096xf32, #tpu.memory_space<hbm>>) dst(%arg8 : memref<8x4096xf32, #tpu.memory_space<vmem>>)
    %get3A_147 = arith.constant 16 : index
    %get3A_148 = tpu.vector_load %arg6[%get3A_147] {strides = array<i32>} : memref<64xi32, #tpu.memory_space<vmem>>, vector<16xi32>,
    %ge3A_149 = arith.constant 8 : i32
    %ge3A_150 = vector.broadcast %ge3A_149 : i32 to vector<16xi32>
    %ge3A_151 = arith.cmpi sge, %iota3A, %ge3A_150 : vector<16xi32>
    %lt3A_152 = arith.constant 16 : i32
    %lt3A_153 = vector.broadcast %lt3A_152 : i32 to vector<16xi32>
    %lt3A_154 = arith.cmpi slt, %iota3A, %lt3A_153 : vector<16xi32>
    %and3A_155 = arith.andi %ge3A_151, %lt3A_154 : vector<16xi1>
    %jit3A_156 = arith.constant 0 : i32
    %broadcast_in_dim3A_157 = vector.broadcast %jit3A_156 : i32 to vector<16xi32>
    %select_n3A_158 = arith.select %and3A_155, %get3A_148, %broadcast_in_dim3A_157 : vector<16xi1>, vector<16xi32>
    %reduce_sum3A_159 = arith.constant true
    %reduce_sum3A_160 = vector.broadcast %reduce_sum3A_159 : i1 to vector<16xi1>
    %reduce_sum3A_161 = tpu.scan <sum>, %select_n3A_158 masked %reduce_sum3A_160 : vector<16xi32>, vector<16xi1> -> vector<16xi32>
    %reduce_sum3A_162 = vector.extract %reduce_sum3A_161[15] : i32 from vector<16xi32>
    %ne3A_163 = arith.constant 8 : i32
    %ne3A_164 = arith.cmpi ne, %reduce_sum3A_162, %ne3A_163 : i32
    %convert_element_type3A_165 = arith.extui %ne3A_164 : i1 to i32
    %cond3A_166 = arith.constant 0 : i32
    %cond3A_167 = arith.cmpi ne, %convert_element_type3A_165, %cond3A_166 : i32
    scf.if %cond3A_167 {
      %scan3A = arith.constant 0 : i32
      %scan3A_354 = arith.constant 8 : i32
      %scan3A_355 = arith.addi %scan3A, %scan3A_354 : i32
      %scan3A_356 = arith.constant 1 : i32
      scf.for %scan3A_358 = %scan3A to %scan3A_355 step %scan3A_356  : i32 {
        %mul3A_359 = arith.constant 1 : i32
        %mul3A_360 = arith.muli %scan3A_358, %mul3A_359 : i32
        %add3A_361 = arith.constant 0 : i32
        %add3A_362 = arith.addi %add3A_361, %mul3A_360 : i32
        %add3A_363 = arith.constant 8 : i32
        %add3A_364 = arith.addi %add3A_363, %add3A_362 : i32
        %eq3A = vector.broadcast %add3A_364 : i32 to vector<16xi32>
        %eq3A_365 = arith.cmpi eq, %iota3A, %eq3A : vector<16xi32>
        %jit3A_366 = arith.constant 0 : i32
        %broadcast_in_dim3A_367 = vector.broadcast %jit3A_366 : i32 to vector<16xi32>
        %select_n3A_368 = arith.select %eq3A_365, %get3A_148, %broadcast_in_dim3A_367 : vector<16xi1>, vector<16xi32>
        %reduce_sum3A_369 = arith.constant true
        %reduce_sum3A_370 = vector.broadcast %reduce_sum3A_369 : i1 to vector<16xi1>
        %reduce_sum3A_371 = tpu.scan <sum>, %select_n3A_368 masked %reduce_sum3A_370 : vector<16xi32>, vector<16xi1> -> vector<16xi32>
        %reduce_sum3A_372 = vector.extract %reduce_sum3A_371[15] : i32 from vector<16xi32>
        %eq3A_373 = arith.constant 0 : i32
        %eq3A_374 = arith.cmpi eq, %reduce_sum3A_372, %eq3A_373 : i32
        %convert_element_type3A_375 = arith.extui %eq3A_374 : i1 to i32
        %cond3A_376 = arith.constant 0 : i32
        %cond3A_377 = arith.cmpi ne, %convert_element_type3A_375, %cond3A_376 : i32
        scf.if %cond3A_377 {
          %add3A_378 = arith.constant 24 : i32
          %add3A_379 = arith.addi %mul3A_2, %add3A_378 : i32
          %add3A_380 = arith.addi %add3A_379, %add3A_362 : i32
          "tpu.region"() ({
            %run_scoped3A = tpu.sem_alloc : memref<!tpu.dma_semaphore, #tpu.memory_space<semaphore_mem>>
            %dma_start3A_381 = arith.constant 0 : i32
            %dma_start3A_382 = tpu.memref_slice %arg8[%add3A_362, %dma_start3A_381] : memref<8x4096xf32, #tpu.memory_space<vmem>> -> memref<1x4096xf32, #tpu.memory_space<vmem>>
            %dma_start3A_383 = arith.constant 0 : i32
            %dma_start3A_384 = tpu.memref_slice %arg4[%add3A_380, %dma_start3A_383] : memref<2048x4096xf32, #tpu.memory_space<hbm>> -> memref<1x4096xf32, #tpu.memory_space<hbm>>
            %dma_start3A_385 = arith.constant 0 : i32
            %dma_start3A_386 = tpu.memref_slice %arg8[%add3A_362, %dma_start3A_385] : memref<8x4096xf32, #tpu.memory_space<vmem>> -> memref<1x4096xf32, #tpu.memory_space<vmem>>
            %dma_start3A_387 = arith.constant 0 : i32
            %dma_start3A_388 = tpu.memref_slice %arg4[%add3A_380, %dma_start3A_387] : memref<2048x4096xf32, #tpu.memory_space<hbm>> -> memref<1x4096xf32, #tpu.memory_space<hbm>>
            tpu.enqueue_dma source(%dma_start3A_388 : memref<1x4096xf32, #tpu.memory_space<hbm>>) target(%dma_start3A_386 : memref<1x4096xf32, #tpu.memory_space<vmem>>) target_semaphore(%run_scoped3A : memref<!tpu.dma_semaphore, #tpu.memory_space<semaphore_mem>>)
            %dma_wait3A_389 = arith.constant 0 : i32
            %dma_wait3A_390 = tpu.memref_slice %arg8[%add3A_362, %dma_wait3A_389] : memref<8x4096xf32, #tpu.memory_space<vmem>> -> memref<1x4096xf32, #tpu.memory_space<vmem>>
            %dma_wait3A_391 = arith.constant 0 : i32
            %dma_wait3A_392 = tpu.memref_slice %arg4[%add3A_380, %dma_wait3A_391] : memref<2048x4096xf32, #tpu.memory_space<hbm>> -> memref<1x4096xf32, #tpu.memory_space<hbm>>
            %dma_wait3A_393 = arith.constant 0 : i32
            %dma_wait3A_394 = tpu.memref_slice %arg8[%add3A_362, %dma_wait3A_393] : memref<8x4096xf32, #tpu.memory_space<vmem>> -> memref<1x4096xf32, #tpu.memory_space<vmem>>
            %dma_wait3A_395 = arith.constant 0 : i32
            %dma_wait3A_396 = tpu.memref_slice %arg4[%add3A_380, %dma_wait3A_395] : memref<2048x4096xf32, #tpu.memory_space<hbm>> -> memref<1x4096xf32, #tpu.memory_space<hbm>>
            tpu.wait_dma2 semaphore(%run_scoped3A : memref<!tpu.dma_semaphore, #tpu.memory_space<semaphore_mem>>) src(%dma_wait3A_396 : memref<1x4096xf32, #tpu.memory_space<hbm>>) dst(%dma_wait3A_394 : memref<1x4096xf32, #tpu.memory_space<vmem>>)
            tpu.yield
          }) : () -> ()
        } else {
        }
      }
      %scan3A_357 = arith.constant 8 : i32
    } else {
    }
    %add3A_168 = arith.constant 24 : i32
    %add3A_169 = arith.addi %mul3A_2, %add3A_168 : i32
    %dma_start3A_170 = arith.constant 0 : i32
    %dma_start3A_171 = tpu.memref_slice %arg5[%add3A_169, %dma_start3A_170] : memref<2048x4096xf32, #tpu.memory_space<hbm>> -> memref<8x4096xf32, #tpu.memory_space<hbm>>
    %dma_start3A_172 = arith.constant 0 : i32
    %dma_start3A_173 = tpu.memref_slice %arg5[%add3A_169, %dma_start3A_172] : memref<2048x4096xf32, #tpu.memory_space<hbm>> -> memref<8x4096xf32, #tpu.memory_space<hbm>>
    tpu.enqueue_dma source(%arg8 : memref<8x4096xf32, #tpu.memory_space<vmem>>) target(%dma_start3A_173 : memref<8x4096xf32, #tpu.memory_space<hbm>>) target_semaphore(%arg12 : memref<!tpu.dma_semaphore, #tpu.memory_space<semaphore_mem>>)
    %add3A_174 = arith.constant 24 : i32
    %add3A_175 = arith.addi %mul3A_2, %add3A_174 : i32
    %dma_wait3A_176 = arith.constant 0 : i32
    %dma_wait3A_177 = tpu.memref_slice %arg3[%add3A_175, %dma_wait3A_176] : memref<2048x4096xf32, #tpu.memory_space<hbm>> -> memref<8x4096xf32, #tpu.memory_space<hbm>>
    %dma_wait3A_178 = arith.constant 0 : i32
    %dma_wait3A_179 = tpu.memref_slice %arg3[%add3A_175, %dma_wait3A_178] : memref<2048x4096xf32, #tpu.memory_space<hbm>> -> memref<8x4096xf32, #tpu.memory_space<hbm>>
    tpu.wait_dma2 semaphore(%arg12 : memref<!tpu.dma_semaphore, #tpu.memory_space<semaphore_mem>>) src(%dma_wait3A_179 : memref<8x4096xf32, #tpu.memory_space<hbm>>) dst(%arg8 : memref<8x4096xf32, #tpu.memory_space<vmem>>)
    %add3A_180 = arith.constant 40 : i32
    %add3A_181 = arith.addi %mul3A_2, %add3A_180 : i32
    %dma_start3A_182 = arith.constant 0 : i32
    %dma_start3A_183 = tpu.memref_slice %arg3[%add3A_181, %dma_start3A_182] : memref<2048x4096xf32, #tpu.memory_space<hbm>> -> memref<8x4096xf32, #tpu.memory_space<hbm>>
    %dma_start3A_184 = arith.constant 0 : i32
    %dma_start3A_185 = tpu.memref_slice %arg3[%add3A_181, %dma_start3A_184] : memref<2048x4096xf32, #tpu.memory_space<hbm>> -> memref<8x4096xf32, #tpu.memory_space<hbm>>
    tpu.enqueue_dma source(%dma_start3A_185 : memref<8x4096xf32, #tpu.memory_space<hbm>>) target(%arg8 : memref<8x4096xf32, #tpu.memory_space<vmem>>) target_semaphore(%arg10 : memref<!tpu.dma_semaphore, #tpu.memory_space<semaphore_mem>>)
    %add3A_186 = arith.constant 32 : i32
    %add3A_187 = arith.addi %mul3A_2, %add3A_186 : i32
    %dma_wait3A_188 = arith.constant 0 : i32
    %dma_wait3A_189 = tpu.memref_slice %arg3[%add3A_187, %dma_wait3A_188] : memref<2048x4096xf32, #tpu.memory_space<hbm>> -> memref<8x4096xf32, #tpu.memory_space<hbm>>
    %dma_wait3A_190 = arith.constant 0 : i32
    %dma_wait3A_191 = tpu.memref_slice %arg3[%add3A_187, %dma_wait3A_190] : memref<2048x4096xf32, #tpu.memory_space<hbm>> -> memref<8x4096xf32, #tpu.memory_space<hbm>>
    tpu.wait_dma2 semaphore(%arg9 : memref<!tpu.dma_semaphore, #tpu.memory_space<semaphore_mem>>) src(%dma_wait3A_191 : memref<8x4096xf32, #tpu.memory_space<hbm>>) dst(%arg7 : memref<8x4096xf32, #tpu.memory_space<vmem>>)
    %get3A_192 = arith.constant 32 : index
    %get3A_193 = tpu.vector_load %arg6[%get3A_192] {strides = array<i32>} : memref<64xi32, #tpu.memory_space<vmem>>, vector<16xi32>,
    %ge3A_194 = arith.constant 0 : i32
    %ge3A_195 = vector.broadcast %ge3A_194 : i32 to vector<16xi32>
    %ge3A_196 = arith.cmpi sge, %iota3A, %ge3A_195 : vector<16xi32>
    %lt3A_197 = arith.constant 8 : i32
    %lt3A_198 = vector.broadcast %lt3A_197 : i32 to vector<16xi32>
    %lt3A_199 = arith.cmpi slt, %iota3A, %lt3A_198 : vector<16xi32>
    %and3A_200 = arith.andi %ge3A_196, %lt3A_199 : vector<16xi1>
    %jit3A_201 = arith.constant 0 : i32
    %broadcast_in_dim3A_202 = vector.broadcast %jit3A_201 : i32 to vector<16xi32>
    %select_n3A_203 = arith.select %and3A_200, %get3A_193, %broadcast_in_dim3A_202 : vector<16xi1>, vector<16xi32>
    %reduce_sum3A_204 = arith.constant true
    %reduce_sum3A_205 = vector.broadcast %reduce_sum3A_204 : i1 to vector<16xi1>
    %reduce_sum3A_206 = tpu.scan <sum>, %select_n3A_203 masked %reduce_sum3A_205 : vector<16xi32>, vector<16xi1> -> vector<16xi32>
    %reduce_sum3A_207 = vector.extract %reduce_sum3A_206[15] : i32 from vector<16xi32>
    %ne3A_208 = arith.constant 8 : i32
    %ne3A_209 = arith.cmpi ne, %reduce_sum3A_207, %ne3A_208 : i32
    %convert_element_type3A_210 = arith.extui %ne3A_209 : i1 to i32
    %cond3A_211 = arith.constant 0 : i32
    %cond3A_212 = arith.cmpi ne, %convert_element_type3A_210, %cond3A_211 : i32
    scf.if %cond3A_212 {
      %scan3A = arith.constant 0 : i32
      %scan3A_354 = arith.constant 8 : i32
      %scan3A_355 = arith.addi %scan3A, %scan3A_354 : i32
      %scan3A_356 = arith.constant 1 : i32
      scf.for %scan3A_358 = %scan3A to %scan3A_355 step %scan3A_356  : i32 {
        %mul3A_359 = arith.constant 1 : i32
        %mul3A_360 = arith.muli %scan3A_358, %mul3A_359 : i32
        %add3A_361 = arith.constant 0 : i32
        %add3A_362 = arith.addi %add3A_361, %mul3A_360 : i32
        %add3A_363 = arith.constant 0 : i32
        %add3A_364 = arith.addi %add3A_363, %add3A_362 : i32
        %eq3A = vector.broadcast %add3A_364 : i32 to vector<16xi32>
        %eq3A_365 = arith.cmpi eq, %iota3A, %eq3A : vector<16xi32>
        %jit3A_366 = arith.constant 0 : i32
        %broadcast_in_dim3A_367 = vector.broadcast %jit3A_366 : i32 to vector<16xi32>
        %select_n3A_368 = arith.select %eq3A_365, %get3A_193, %broadcast_in_dim3A_367 : vector<16xi1>, vector<16xi32>
        %reduce_sum3A_369 = arith.constant true
        %reduce_sum3A_370 = vector.broadcast %reduce_sum3A_369 : i1 to vector<16xi1>
        %reduce_sum3A_371 = tpu.scan <sum>, %select_n3A_368 masked %reduce_sum3A_370 : vector<16xi32>, vector<16xi1> -> vector<16xi32>
        %reduce_sum3A_372 = vector.extract %reduce_sum3A_371[15] : i32 from vector<16xi32>
        %eq3A_373 = arith.constant 0 : i32
        %eq3A_374 = arith.cmpi eq, %reduce_sum3A_372, %eq3A_373 : i32
        %convert_element_type3A_375 = arith.extui %eq3A_374 : i1 to i32
        %cond3A_376 = arith.constant 0 : i32
        %cond3A_377 = arith.cmpi ne, %convert_element_type3A_375, %cond3A_376 : i32
        scf.if %cond3A_377 {
          %add3A_378 = arith.constant 32 : i32
          %add3A_379 = arith.addi %mul3A_2, %add3A_378 : i32
          %add3A_380 = arith.addi %add3A_379, %add3A_362 : i32
          "tpu.region"() ({
            %run_scoped3A = tpu.sem_alloc : memref<!tpu.dma_semaphore, #tpu.memory_space<semaphore_mem>>
            %dma_start3A_381 = arith.constant 0 : i32
            %dma_start3A_382 = tpu.memref_slice %arg7[%add3A_362, %dma_start3A_381] : memref<8x4096xf32, #tpu.memory_space<vmem>> -> memref<1x4096xf32, #tpu.memory_space<vmem>>
            %dma_start3A_383 = arith.constant 0 : i32
            %dma_start3A_384 = tpu.memref_slice %arg4[%add3A_380, %dma_start3A_383] : memref<2048x4096xf32, #tpu.memory_space<hbm>> -> memref<1x4096xf32, #tpu.memory_space<hbm>>
            %dma_start3A_385 = arith.constant 0 : i32
            %dma_start3A_386 = tpu.memref_slice %arg7[%add3A_362, %dma_start3A_385] : memref<8x4096xf32, #tpu.memory_space<vmem>> -> memref<1x4096xf32, #tpu.memory_space<vmem>>
            %dma_start3A_387 = arith.constant 0 : i32
            %dma_start3A_388 = tpu.memref_slice %arg4[%add3A_380, %dma_start3A_387] : memref<2048x4096xf32, #tpu.memory_space<hbm>> -> memref<1x4096xf32, #tpu.memory_space<hbm>>
            tpu.enqueue_dma source(%dma_start3A_388 : memref<1x4096xf32, #tpu.memory_space<hbm>>) target(%dma_start3A_386 : memref<1x4096xf32, #tpu.memory_space<vmem>>) target_semaphore(%run_scoped3A : memref<!tpu.dma_semaphore, #tpu.memory_space<semaphore_mem>>)
            %dma_wait3A_389 = arith.constant 0 : i32
            %dma_wait3A_390 = tpu.memref_slice %arg7[%add3A_362, %dma_wait3A_389] : memref<8x4096xf32, #tpu.memory_space<vmem>> -> memref<1x4096xf32, #tpu.memory_space<vmem>>
            %dma_wait3A_391 = arith.constant 0 : i32
            %dma_wait3A_392 = tpu.memref_slice %arg4[%add3A_380, %dma_wait3A_391] : memref<2048x4096xf32, #tpu.memory_space<hbm>> -> memref<1x4096xf32, #tpu.memory_space<hbm>>
            %dma_wait3A_393 = arith.constant 0 : i32
            %dma_wait3A_394 = tpu.memref_slice %arg7[%add3A_362, %dma_wait3A_393] : memref<8x4096xf32, #tpu.memory_space<vmem>> -> memref<1x4096xf32, #tpu.memory_space<vmem>>
            %dma_wait3A_395 = arith.constant 0 : i32
            %dma_wait3A_396 = tpu.memref_slice %arg4[%add3A_380, %dma_wait3A_395] : memref<2048x4096xf32, #tpu.memory_space<hbm>> -> memref<1x4096xf32, #tpu.memory_space<hbm>>
            tpu.wait_dma2 semaphore(%run_scoped3A : memref<!tpu.dma_semaphore, #tpu.memory_space<semaphore_mem>>) src(%dma_wait3A_396 : memref<1x4096xf32, #tpu.memory_space<hbm>>) dst(%dma_wait3A_394 : memref<1x4096xf32, #tpu.memory_space<vmem>>)
            tpu.yield
          }) : () -> ()
        } else {
        }
      }
      %scan3A_357 = arith.constant 8 : i32
    } else {
    }
    %add3A_213 = arith.constant 32 : i32
    %add3A_214 = arith.addi %mul3A_2, %add3A_213 : i32
    %dma_start3A_215 = arith.constant 0 : i32
    %dma_start3A_216 = tpu.memref_slice %arg5[%add3A_214, %dma_start3A_215] : memref<2048x4096xf32, #tpu.memory_space<hbm>> -> memref<8x4096xf32, #tpu.memory_space<hbm>>
    %dma_start3A_217 = arith.constant 0 : i32
    %dma_start3A_218 = tpu.memref_slice %arg5[%add3A_214, %dma_start3A_217] : memref<2048x4096xf32, #tpu.memory_space<hbm>> -> memref<8x4096xf32, #tpu.memory_space<hbm>>
    tpu.enqueue_dma source(%arg7 : memref<8x4096xf32, #tpu.memory_space<vmem>>) target(%dma_start3A_218 : memref<8x4096xf32, #tpu.memory_space<hbm>>) target_semaphore(%arg11 : memref<!tpu.dma_semaphore, #tpu.memory_space<semaphore_mem>>)
    %add3A_219 = arith.constant 32 : i32
    %add3A_220 = arith.addi %mul3A_2, %add3A_219 : i32
    %dma_wait3A_221 = arith.constant 0 : i32
    %dma_wait3A_222 = tpu.memref_slice %arg3[%add3A_220, %dma_wait3A_221] : memref<2048x4096xf32, #tpu.memory_space<hbm>> -> memref<8x4096xf32, #tpu.memory_space<hbm>>
    %dma_wait3A_223 = arith.constant 0 : i32
    %dma_wait3A_224 = tpu.memref_slice %arg3[%add3A_220, %dma_wait3A_223] : memref<2048x4096xf32, #tpu.memory_space<hbm>> -> memref<8x4096xf32, #tpu.memory_space<hbm>>
    tpu.wait_dma2 semaphore(%arg11 : memref<!tpu.dma_semaphore, #tpu.memory_space<semaphore_mem>>) src(%dma_wait3A_224 : memref<8x4096xf32, #tpu.memory_space<hbm>>) dst(%arg7 : memref<8x4096xf32, #tpu.memory_space<vmem>>)
    %add3A_225 = arith.constant 48 : i32
    %add3A_226 = arith.addi %mul3A_2, %add3A_225 : i32
    %dma_start3A_227 = arith.constant 0 : i32
    %dma_start3A_228 = tpu.memref_slice %arg3[%add3A_226, %dma_start3A_227] : memref<2048x4096xf32, #tpu.memory_space<hbm>> -> memref<8x4096xf32, #tpu.memory_space<hbm>>
    %dma_start3A_229 = arith.constant 0 : i32
    %dma_start3A_230 = tpu.memref_slice %arg3[%add3A_226, %dma_start3A_229] : memref<2048x4096xf32, #tpu.memory_space<hbm>> -> memref<8x4096xf32, #tpu.memory_space<hbm>>
    tpu.enqueue_dma source(%dma_start3A_230 : memref<8x4096xf32, #tpu.memory_space<hbm>>) target(%arg7 : memref<8x4096xf32, #tpu.memory_space<vmem>>) target_semaphore(%arg9 : memref<!tpu.dma_semaphore, #tpu.memory_space<semaphore_mem>>)
    %add3A_231 = arith.constant 40 : i32
    %add3A_232 = arith.addi %mul3A_2, %add3A_231 : i32
    %dma_wait3A_233 = arith.constant 0 : i32
    %dma_wait3A_234 = tpu.memref_slice %arg3[%add3A_232, %dma_wait3A_233] : memref<2048x4096xf32, #tpu.memory_space<hbm>> -> memref<8x4096xf32, #tpu.memory_space<hbm>>
    %dma_wait3A_235 = arith.constant 0 : i32
    %dma_wait3A_236 = tpu.memref_slice %arg3[%add3A_232, %dma_wait3A_235] : memref<2048x4096xf32, #tpu.memory_space<hbm>> -> memref<8x4096xf32, #tpu.memory_space<hbm>>
    tpu.wait_dma2 semaphore(%arg10 : memref<!tpu.dma_semaphore, #tpu.memory_space<semaphore_mem>>) src(%dma_wait3A_236 : memref<8x4096xf32, #tpu.memory_space<hbm>>) dst(%arg8 : memref<8x4096xf32, #tpu.memory_space<vmem>>)
    %get3A_237 = arith.constant 32 : index
    %get3A_238 = tpu.vector_load %arg6[%get3A_237] {strides = array<i32>} : memref<64xi32, #tpu.memory_space<vmem>>, vector<16xi32>,
    %ge3A_239 = arith.constant 8 : i32
    %ge3A_240 = vector.broadcast %ge3A_239 : i32 to vector<16xi32>
    %ge3A_241 = arith.cmpi sge, %iota3A, %ge3A_240 : vector<16xi32>
    %lt3A_242 = arith.constant 16 : i32
    %lt3A_243 = vector.broadcast %lt3A_242 : i32 to vector<16xi32>
    %lt3A_244 = arith.cmpi slt, %iota3A, %lt3A_243 : vector<16xi32>
    %and3A_245 = arith.andi %ge3A_241, %lt3A_244 : vector<16xi1>
    %jit3A_246 = arith.constant 0 : i32
    %broadcast_in_dim3A_247 = vector.broadcast %jit3A_246 : i32 to vector<16xi32>
    %select_n3A_248 = arith.select %and3A_245, %get3A_238, %broadcast_in_dim3A_247 : vector<16xi1>, vector<16xi32>
    %reduce_sum3A_249 = arith.constant true
    %reduce_sum3A_250 = vector.broadcast %reduce_sum3A_249 : i1 to vector<16xi1>
    %reduce_sum3A_251 = tpu.scan <sum>, %select_n3A_248 masked %reduce_sum3A_250 : vector<16xi32>, vector<16xi1> -> vector<16xi32>
    %reduce_sum3A_252 = vector.extract %reduce_sum3A_251[15] : i32 from vector<16xi32>
    %ne3A_253 = arith.constant 8 : i32
    %ne3A_254 = arith.cmpi ne, %reduce_sum3A_252, %ne3A_253 : i32
    %convert_element_type3A_255 = arith.extui %ne3A_254 : i1 to i32
    %cond3A_256 = arith.constant 0 : i32
    %cond3A_257 = arith.cmpi ne, %convert_element_type3A_255, %cond3A_256 : i32
    scf.if %cond3A_257 {
      %scan3A = arith.constant 0 : i32
      %scan3A_354 = arith.constant 8 : i32
      %scan3A_355 = arith.addi %scan3A, %scan3A_354 : i32
      %scan3A_356 = arith.constant 1 : i32
      scf.for %scan3A_358 = %scan3A to %scan3A_355 step %scan3A_356  : i32 {
        %mul3A_359 = arith.constant 1 : i32
        %mul3A_360 = arith.muli %scan3A_358, %mul3A_359 : i32
        %add3A_361 = arith.constant 0 : i32
        %add3A_362 = arith.addi %add3A_361, %mul3A_360 : i32
        %add3A_363 = arith.constant 8 : i32
        %add3A_364 = arith.addi %add3A_363, %add3A_362 : i32
        %eq3A = vector.broadcast %add3A_364 : i32 to vector<16xi32>
        %eq3A_365 = arith.cmpi eq, %iota3A, %eq3A : vector<16xi32>
        %jit3A_366 = arith.constant 0 : i32
        %broadcast_in_dim3A_367 = vector.broadcast %jit3A_366 : i32 to vector<16xi32>
        %select_n3A_368 = arith.select %eq3A_365, %get3A_238, %broadcast_in_dim3A_367 : vector<16xi1>, vector<16xi32>
        %reduce_sum3A_369 = arith.constant true
        %reduce_sum3A_370 = vector.broadcast %reduce_sum3A_369 : i1 to vector<16xi1>
        %reduce_sum3A_371 = tpu.scan <sum>, %select_n3A_368 masked %reduce_sum3A_370 : vector<16xi32>, vector<16xi1> -> vector<16xi32>
        %reduce_sum3A_372 = vector.extract %reduce_sum3A_371[15] : i32 from vector<16xi32>
        %eq3A_373 = arith.constant 0 : i32
        %eq3A_374 = arith.cmpi eq, %reduce_sum3A_372, %eq3A_373 : i32
        %convert_element_type3A_375 = arith.extui %eq3A_374 : i1 to i32
        %cond3A_376 = arith.constant 0 : i32
        %cond3A_377 = arith.cmpi ne, %convert_element_type3A_375, %cond3A_376 : i32
        scf.if %cond3A_377 {
          %add3A_378 = arith.constant 40 : i32
          %add3A_379 = arith.addi %mul3A_2, %add3A_378 : i32
          %add3A_380 = arith.addi %add3A_379, %add3A_362 : i32
          "tpu.region"() ({
            %run_scoped3A = tpu.sem_alloc : memref<!tpu.dma_semaphore, #tpu.memory_space<semaphore_mem>>
            %dma_start3A_381 = arith.constant 0 : i32
            %dma_start3A_382 = tpu.memref_slice %arg8[%add3A_362, %dma_start3A_381] : memref<8x4096xf32, #tpu.memory_space<vmem>> -> memref<1x4096xf32, #tpu.memory_space<vmem>>
            %dma_start3A_383 = arith.constant 0 : i32
            %dma_start3A_384 = tpu.memref_slice %arg4[%add3A_380, %dma_start3A_383] : memref<2048x4096xf32, #tpu.memory_space<hbm>> -> memref<1x4096xf32, #tpu.memory_space<hbm>>
            %dma_start3A_385 = arith.constant 0 : i32
            %dma_start3A_386 = tpu.memref_slice %arg8[%add3A_362, %dma_start3A_385] : memref<8x4096xf32, #tpu.memory_space<vmem>> -> memref<1x4096xf32, #tpu.memory_space<vmem>>
            %dma_start3A_387 = arith.constant 0 : i32
            %dma_start3A_388 = tpu.memref_slice %arg4[%add3A_380, %dma_start3A_387] : memref<2048x4096xf32, #tpu.memory_space<hbm>> -> memref<1x4096xf32, #tpu.memory_space<hbm>>
            tpu.enqueue_dma source(%dma_start3A_388 : memref<1x4096xf32, #tpu.memory_space<hbm>>) target(%dma_start3A_386 : memref<1x4096xf32, #tpu.memory_space<vmem>>) target_semaphore(%run_scoped3A : memref<!tpu.dma_semaphore, #tpu.memory_space<semaphore_mem>>)
            %dma_wait3A_389 = arith.constant 0 : i32
            %dma_wait3A_390 = tpu.memref_slice %arg8[%add3A_362, %dma_wait3A_389] : memref<8x4096xf32, #tpu.memory_space<vmem>> -> memref<1x4096xf32, #tpu.memory_space<vmem>>
            %dma_wait3A_391 = arith.constant 0 : i32
            %dma_wait3A_392 = tpu.memref_slice %arg4[%add3A_380, %dma_wait3A_391] : memref<2048x4096xf32, #tpu.memory_space<hbm>> -> memref<1x4096xf32, #tpu.memory_space<hbm>>
            %dma_wait3A_393 = arith.constant 0 : i32
            %dma_wait3A_394 = tpu.memref_slice %arg8[%add3A_362, %dma_wait3A_393] : memref<8x4096xf32, #tpu.memory_space<vmem>> -> memref<1x4096xf32, #tpu.memory_space<vmem>>
            %dma_wait3A_395 = arith.constant 0 : i32
            %dma_wait3A_396 = tpu.memref_slice %arg4[%add3A_380, %dma_wait3A_395] : memref<2048x4096xf32, #tpu.memory_space<hbm>> -> memref<1x4096xf32, #tpu.memory_space<hbm>>
            tpu.wait_dma2 semaphore(%run_scoped3A : memref<!tpu.dma_semaphore, #tpu.memory_space<semaphore_mem>>) src(%dma_wait3A_396 : memref<1x4096xf32, #tpu.memory_space<hbm>>) dst(%dma_wait3A_394 : memref<1x4096xf32, #tpu.memory_space<vmem>>)
            tpu.yield
          }) : () -> ()
        } else {
        }
      }
      %scan3A_357 = arith.constant 8 : i32
    } else {
    }
    %add3A_258 = arith.constant 40 : i32
    %add3A_259 = arith.addi %mul3A_2, %add3A_258 : i32
    %dma_start3A_260 = arith.constant 0 : i32
    %dma_start3A_261 = tpu.memref_slice %arg5[%add3A_259, %dma_start3A_260] : memref<2048x4096xf32, #tpu.memory_space<hbm>> -> memref<8x4096xf32, #tpu.memory_space<hbm>>
    %dma_start3A_262 = arith.constant 0 : i32
    %dma_start3A_263 = tpu.memref_slice %arg5[%add3A_259, %dma_start3A_262] : memref<2048x4096xf32, #tpu.memory_space<hbm>> -> memref<8x4096xf32, #tpu.memory_space<hbm>>
    tpu.enqueue_dma source(%arg8 : memref<8x4096xf32, #tpu.memory_space<vmem>>) target(%dma_start3A_263 : memref<8x4096xf32, #tpu.memory_space<hbm>>) target_semaphore(%arg12 : memref<!tpu.dma_semaphore, #tpu.memory_space<semaphore_mem>>)
    %add3A_264 = arith.constant 40 : i32
    %add3A_265 = arith.addi %mul3A_2, %add3A_264 : i32
    %dma_wait3A_266 = arith.constant 0 : i32
    %dma_wait3A_267 = tpu.memref_slice %arg3[%add3A_265, %dma_wait3A_266] : memref<2048x4096xf32, #tpu.memory_space<hbm>> -> memref<8x4096xf32, #tpu.memory_space<hbm>>
    %dma_wait3A_268 = arith.constant 0 : i32
    %dma_wait3A_269 = tpu.memref_slice %arg3[%add3A_265, %dma_wait3A_268] : memref<2048x4096xf32, #tpu.memory_space<hbm>> -> memref<8x4096xf32, #tpu.memory_space<hbm>>
    tpu.wait_dma2 semaphore(%arg12 : memref<!tpu.dma_semaphore, #tpu.memory_space<semaphore_mem>>) src(%dma_wait3A_269 : memref<8x4096xf32, #tpu.memory_space<hbm>>) dst(%arg8 : memref<8x4096xf32, #tpu.memory_space<vmem>>)
    %add3A_270 = arith.constant 56 : i32
    %add3A_271 = arith.addi %mul3A_2, %add3A_270 : i32
    %dma_start3A_272 = arith.constant 0 : i32
    %dma_start3A_273 = tpu.memref_slice %arg3[%add3A_271, %dma_start3A_272] : memref<2048x4096xf32, #tpu.memory_space<hbm>> -> memref<8x4096xf32, #tpu.memory_space<hbm>>
    %dma_start3A_274 = arith.constant 0 : i32
    %dma_start3A_275 = tpu.memref_slice %arg3[%add3A_271, %dma_start3A_274] : memref<2048x4096xf32, #tpu.memory_space<hbm>> -> memref<8x4096xf32, #tpu.memory_space<hbm>>
    tpu.enqueue_dma source(%dma_start3A_275 : memref<8x4096xf32, #tpu.memory_space<hbm>>) target(%arg8 : memref<8x4096xf32, #tpu.memory_space<vmem>>) target_semaphore(%arg10 : memref<!tpu.dma_semaphore, #tpu.memory_space<semaphore_mem>>)
    %add3A_276 = arith.constant 48 : i32
    %add3A_277 = arith.addi %mul3A_2, %add3A_276 : i32
    %dma_wait3A_278 = arith.constant 0 : i32
    %dma_wait3A_279 = tpu.memref_slice %arg3[%add3A_277, %dma_wait3A_278] : memref<2048x4096xf32, #tpu.memory_space<hbm>> -> memref<8x4096xf32, #tpu.memory_space<hbm>>
    %dma_wait3A_280 = arith.constant 0 : i32
    %dma_wait3A_281 = tpu.memref_slice %arg3[%add3A_277, %dma_wait3A_280] : memref<2048x4096xf32, #tpu.memory_space<hbm>> -> memref<8x4096xf32, #tpu.memory_space<hbm>>
    tpu.wait_dma2 semaphore(%arg9 : memref<!tpu.dma_semaphore, #tpu.memory_space<semaphore_mem>>) src(%dma_wait3A_281 : memref<8x4096xf32, #tpu.memory_space<hbm>>) dst(%arg7 : memref<8x4096xf32, #tpu.memory_space<vmem>>)
    %get3A_282 = arith.constant 48 : index
    %get3A_283 = tpu.vector_load %arg6[%get3A_282] {strides = array<i32>} : memref<64xi32, #tpu.memory_space<vmem>>, vector<16xi32>,
    %ge3A_284 = arith.constant 0 : i32
    %ge3A_285 = vector.broadcast %ge3A_284 : i32 to vector<16xi32>
    %ge3A_286 = arith.cmpi sge, %iota3A, %ge3A_285 : vector<16xi32>
    %lt3A_287 = arith.constant 8 : i32
    %lt3A_288 = vector.broadcast %lt3A_287 : i32 to vector<16xi32>
    %lt3A_289 = arith.cmpi slt, %iota3A, %lt3A_288 : vector<16xi32>
    %and3A_290 = arith.andi %ge3A_286, %lt3A_289 : vector<16xi1>
    %jit3A_291 = arith.constant 0 : i32
    %broadcast_in_dim3A_292 = vector.broadcast %jit3A_291 : i32 to vector<16xi32>
    %select_n3A_293 = arith.select %and3A_290, %get3A_283, %broadcast_in_dim3A_292 : vector<16xi1>, vector<16xi32>
    %reduce_sum3A_294 = arith.constant true
    %reduce_sum3A_295 = vector.broadcast %reduce_sum3A_294 : i1 to vector<16xi1>
    %reduce_sum3A_296 = tpu.scan <sum>, %select_n3A_293 masked %reduce_sum3A_295 : vector<16xi32>, vector<16xi1> -> vector<16xi32>
    %reduce_sum3A_297 = vector.extract %reduce_sum3A_296[15] : i32 from vector<16xi32>
    %ne3A_298 = arith.constant 8 : i32
    %ne3A_299 = arith.cmpi ne, %reduce_sum3A_297, %ne3A_298 : i32
    %convert_element_type3A_300 = arith.extui %ne3A_299 : i1 to i32
    %cond3A_301 = arith.constant 0 : i32
    %cond3A_302 = arith.cmpi ne, %convert_element_type3A_300, %cond3A_301 : i32
    scf.if %cond3A_302 {
      %scan3A = arith.constant 0 : i32
      %scan3A_354 = arith.constant 8 : i32
      %scan3A_355 = arith.addi %scan3A, %scan3A_354 : i32
      %scan3A_356 = arith.constant 1 : i32
      scf.for %scan3A_358 = %scan3A to %scan3A_355 step %scan3A_356  : i32 {
        %mul3A_359 = arith.constant 1 : i32
        %mul3A_360 = arith.muli %scan3A_358, %mul3A_359 : i32
        %add3A_361 = arith.constant 0 : i32
        %add3A_362 = arith.addi %add3A_361, %mul3A_360 : i32
        %add3A_363 = arith.constant 0 : i32
        %add3A_364 = arith.addi %add3A_363, %add3A_362 : i32
        %eq3A = vector.broadcast %add3A_364 : i32 to vector<16xi32>
        %eq3A_365 = arith.cmpi eq, %iota3A, %eq3A : vector<16xi32>
        %jit3A_366 = arith.constant 0 : i32
        %broadcast_in_dim3A_367 = vector.broadcast %jit3A_366 : i32 to vector<16xi32>
        %select_n3A_368 = arith.select %eq3A_365, %get3A_283, %broadcast_in_dim3A_367 : vector<16xi1>, vector<16xi32>
        %reduce_sum3A_369 = arith.constant true
        %reduce_sum3A_370 = vector.broadcast %reduce_sum3A_369 : i1 to vector<16xi1>
        %reduce_sum3A_371 = tpu.scan <sum>, %select_n3A_368 masked %reduce_sum3A_370 : vector<16xi32>, vector<16xi1> -> vector<16xi32>
        %reduce_sum3A_372 = vector.extract %reduce_sum3A_371[15] : i32 from vector<16xi32>
        %eq3A_373 = arith.constant 0 : i32
        %eq3A_374 = arith.cmpi eq, %reduce_sum3A_372, %eq3A_373 : i32
        %convert_element_type3A_375 = arith.extui %eq3A_374 : i1 to i32
        %cond3A_376 = arith.constant 0 : i32
        %cond3A_377 = arith.cmpi ne, %convert_element_type3A_375, %cond3A_376 : i32
        scf.if %cond3A_377 {
          %add3A_378 = arith.constant 48 : i32
          %add3A_379 = arith.addi %mul3A_2, %add3A_378 : i32
          %add3A_380 = arith.addi %add3A_379, %add3A_362 : i32
          "tpu.region"() ({
            %run_scoped3A = tpu.sem_alloc : memref<!tpu.dma_semaphore, #tpu.memory_space<semaphore_mem>>
            %dma_start3A_381 = arith.constant 0 : i32
            %dma_start3A_382 = tpu.memref_slice %arg7[%add3A_362, %dma_start3A_381] : memref<8x4096xf32, #tpu.memory_space<vmem>> -> memref<1x4096xf32, #tpu.memory_space<vmem>>
            %dma_start3A_383 = arith.constant 0 : i32
            %dma_start3A_384 = tpu.memref_slice %arg4[%add3A_380, %dma_start3A_383] : memref<2048x4096xf32, #tpu.memory_space<hbm>> -> memref<1x4096xf32, #tpu.memory_space<hbm>>
            %dma_start3A_385 = arith.constant 0 : i32
            %dma_start3A_386 = tpu.memref_slice %arg7[%add3A_362, %dma_start3A_385] : memref<8x4096xf32, #tpu.memory_space<vmem>> -> memref<1x4096xf32, #tpu.memory_space<vmem>>
            %dma_start3A_387 = arith.constant 0 : i32
            %dma_start3A_388 = tpu.memref_slice %arg4[%add3A_380, %dma_start3A_387] : memref<2048x4096xf32, #tpu.memory_space<hbm>> -> memref<1x4096xf32, #tpu.memory_space<hbm>>
            tpu.enqueue_dma source(%dma_start3A_388 : memref<1x4096xf32, #tpu.memory_space<hbm>>) target(%dma_start3A_386 : memref<1x4096xf32, #tpu.memory_space<vmem>>) target_semaphore(%run_scoped3A : memref<!tpu.dma_semaphore, #tpu.memory_space<semaphore_mem>>)
            %dma_wait3A_389 = arith.constant 0 : i32
            %dma_wait3A_390 = tpu.memref_slice %arg7[%add3A_362, %dma_wait3A_389] : memref<8x4096xf32, #tpu.memory_space<vmem>> -> memref<1x4096xf32, #tpu.memory_space<vmem>>
            %dma_wait3A_391 = arith.constant 0 : i32
            %dma_wait3A_392 = tpu.memref_slice %arg4[%add3A_380, %dma_wait3A_391] : memref<2048x4096xf32, #tpu.memory_space<hbm>> -> memref<1x4096xf32, #tpu.memory_space<hbm>>
            %dma_wait3A_393 = arith.constant 0 : i32
            %dma_wait3A_394 = tpu.memref_slice %arg7[%add3A_362, %dma_wait3A_393] : memref<8x4096xf32, #tpu.memory_space<vmem>> -> memref<1x4096xf32, #tpu.memory_space<vmem>>
            %dma_wait3A_395 = arith.constant 0 : i32
            %dma_wait3A_396 = tpu.memref_slice %arg4[%add3A_380, %dma_wait3A_395] : memref<2048x4096xf32, #tpu.memory_space<hbm>> -> memref<1x4096xf32, #tpu.memory_space<hbm>>
            tpu.wait_dma2 semaphore(%run_scoped3A : memref<!tpu.dma_semaphore, #tpu.memory_space<semaphore_mem>>) src(%dma_wait3A_396 : memref<1x4096xf32, #tpu.memory_space<hbm>>) dst(%dma_wait3A_394 : memref<1x4096xf32, #tpu.memory_space<vmem>>)
            tpu.yield
          }) : () -> ()
        } else {
        }
      }
      %scan3A_357 = arith.constant 8 : i32
    } else {
    }
    %add3A_303 = arith.constant 48 : i32
    %add3A_304 = arith.addi %mul3A_2, %add3A_303 : i32
    %dma_start3A_305 = arith.constant 0 : i32
    %dma_start3A_306 = tpu.memref_slice %arg5[%add3A_304, %dma_start3A_305] : memref<2048x4096xf32, #tpu.memory_space<hbm>> -> memref<8x4096xf32, #tpu.memory_space<hbm>>
    %dma_start3A_307 = arith.constant 0 : i32
    %dma_start3A_308 = tpu.memref_slice %arg5[%add3A_304, %dma_start3A_307] : memref<2048x4096xf32, #tpu.memory_space<hbm>> -> memref<8x4096xf32, #tpu.memory_space<hbm>>
    tpu.enqueue_dma source(%arg7 : memref<8x4096xf32, #tpu.memory_space<vmem>>) target(%dma_start3A_308 : memref<8x4096xf32, #tpu.memory_space<hbm>>) target_semaphore(%arg11 : memref<!tpu.dma_semaphore, #tpu.memory_space<semaphore_mem>>)
    %add3A_309 = arith.constant 56 : i32
    %add3A_310 = arith.addi %mul3A_2, %add3A_309 : i32
    %dma_wait3A_311 = arith.constant 0 : i32
    %dma_wait3A_312 = tpu.memref_slice %arg3[%add3A_310, %dma_wait3A_311] : memref<2048x4096xf32, #tpu.memory_space<hbm>> -> memref<8x4096xf32, #tpu.memory_space<hbm>>
    %dma_wait3A_313 = arith.constant 0 : i32
    %dma_wait3A_314 = tpu.memref_slice %arg3[%add3A_310, %dma_wait3A_313] : memref<2048x4096xf32, #tpu.memory_space<hbm>> -> memref<8x4096xf32, #tpu.memory_space<hbm>>
    tpu.wait_dma2 semaphore(%arg10 : memref<!tpu.dma_semaphore, #tpu.memory_space<semaphore_mem>>) src(%dma_wait3A_314 : memref<8x4096xf32, #tpu.memory_space<hbm>>) dst(%arg8 : memref<8x4096xf32, #tpu.memory_space<vmem>>)
    %get3A_315 = arith.constant 48 : index
    %get3A_316 = tpu.vector_load %arg6[%get3A_315] {strides = array<i32>} : memref<64xi32, #tpu.memory_space<vmem>>, vector<16xi32>,
    %ge3A_317 = arith.constant 8 : i32
    %ge3A_318 = vector.broadcast %ge3A_317 : i32 to vector<16xi32>
    %ge3A_319 = arith.cmpi sge, %iota3A, %ge3A_318 : vector<16xi32>
    %lt3A_320 = arith.constant 16 : i32
    %lt3A_321 = vector.broadcast %lt3A_320 : i32 to vector<16xi32>
    %lt3A_322 = arith.cmpi slt, %iota3A, %lt3A_321 : vector<16xi32>
    %and3A_323 = arith.andi %ge3A_319, %lt3A_322 : vector<16xi1>
    %jit3A_324 = arith.constant 0 : i32
    %broadcast_in_dim3A_325 = vector.broadcast %jit3A_324 : i32 to vector<16xi32>
    %select_n3A_326 = arith.select %and3A_323, %get3A_316, %broadcast_in_dim3A_325 : vector<16xi1>, vector<16xi32>
    %reduce_sum3A_327 = arith.constant true
    %reduce_sum3A_328 = vector.broadcast %reduce_sum3A_327 : i1 to vector<16xi1>
    %reduce_sum3A_329 = tpu.scan <sum>, %select_n3A_326 masked %reduce_sum3A_328 : vector<16xi32>, vector<16xi1> -> vector<16xi32>
    %reduce_sum3A_330 = vector.extract %reduce_sum3A_329[15] : i32 from vector<16xi32>
    %ne3A_331 = arith.constant 8 : i32
    %ne3A_332 = arith.cmpi ne, %reduce_sum3A_330, %ne3A_331 : i32
    %convert_element_type3A_333 = arith.extui %ne3A_332 : i1 to i32
    %cond3A_334 = arith.constant 0 : i32
    %cond3A_335 = arith.cmpi ne, %convert_element_type3A_333, %cond3A_334 : i32
    scf.if %cond3A_335 {
      %scan3A = arith.constant 0 : i32
      %scan3A_354 = arith.constant 8 : i32
      %scan3A_355 = arith.addi %scan3A, %scan3A_354 : i32
      %scan3A_356 = arith.constant 1 : i32
      scf.for %scan3A_358 = %scan3A to %scan3A_355 step %scan3A_356  : i32 {
        %mul3A_359 = arith.constant 1 : i32
        %mul3A_360 = arith.muli %scan3A_358, %mul3A_359 : i32
        %add3A_361 = arith.constant 0 : i32
        %add3A_362 = arith.addi %add3A_361, %mul3A_360 : i32
        %add3A_363 = arith.constant 8 : i32
        %add3A_364 = arith.addi %add3A_363, %add3A_362 : i32
        %eq3A = vector.broadcast %add3A_364 : i32 to vector<16xi32>
        %eq3A_365 = arith.cmpi eq, %iota3A, %eq3A : vector<16xi32>
        %jit3A_366 = arith.constant 0 : i32
        %broadcast_in_dim3A_367 = vector.broadcast %jit3A_366 : i32 to vector<16xi32>
        %select_n3A_368 = arith.select %eq3A_365, %get3A_316, %broadcast_in_dim3A_367 : vector<16xi1>, vector<16xi32>
        %reduce_sum3A_369 = arith.constant true
        %reduce_sum3A_370 = vector.broadcast %reduce_sum3A_369 : i1 to vector<16xi1>
        %reduce_sum3A_371 = tpu.scan <sum>, %select_n3A_368 masked %reduce_sum3A_370 : vector<16xi32>, vector<16xi1> -> vector<16xi32>
        %reduce_sum3A_372 = vector.extract %reduce_sum3A_371[15] : i32 from vector<16xi32>
        %eq3A_373 = arith.constant 0 : i32
        %eq3A_374 = arith.cmpi eq, %reduce_sum3A_372, %eq3A_373 : i32
        %convert_element_type3A_375 = arith.extui %eq3A_374 : i1 to i32
        %cond3A_376 = arith.constant 0 : i32
        %cond3A_377 = arith.cmpi ne, %convert_element_type3A_375, %cond3A_376 : i32
        scf.if %cond3A_377 {
          %add3A_378 = arith.constant 56 : i32
          %add3A_379 = arith.addi %mul3A_2, %add3A_378 : i32
          %add3A_380 = arith.addi %add3A_379, %add3A_362 : i32
          "tpu.region"() ({
            %run_scoped3A = tpu.sem_alloc : memref<!tpu.dma_semaphore, #tpu.memory_space<semaphore_mem>>
            %dma_start3A_381 = arith.constant 0 : i32
            %dma_start3A_382 = tpu.memref_slice %arg8[%add3A_362, %dma_start3A_381] : memref<8x4096xf32, #tpu.memory_space<vmem>> -> memref<1x4096xf32, #tpu.memory_space<vmem>>
            %dma_start3A_383 = arith.constant 0 : i32
            %dma_start3A_384 = tpu.memref_slice %arg4[%add3A_380, %dma_start3A_383] : memref<2048x4096xf32, #tpu.memory_space<hbm>> -> memref<1x4096xf32, #tpu.memory_space<hbm>>
            %dma_start3A_385 = arith.constant 0 : i32
            %dma_start3A_386 = tpu.memref_slice %arg8[%add3A_362, %dma_start3A_385] : memref<8x4096xf32, #tpu.memory_space<vmem>> -> memref<1x4096xf32, #tpu.memory_space<vmem>>
            %dma_start3A_387 = arith.constant 0 : i32
            %dma_start3A_388 = tpu.memref_slice %arg4[%add3A_380, %dma_start3A_387] : memref<2048x4096xf32, #tpu.memory_space<hbm>> -> memref<1x4096xf32, #tpu.memory_space<hbm>>
            tpu.enqueue_dma source(%dma_start3A_388 : memref<1x4096xf32, #tpu.memory_space<hbm>>) target(%dma_start3A_386 : memref<1x4096xf32, #tpu.memory_space<vmem>>) target_semaphore(%run_scoped3A : memref<!tpu.dma_semaphore, #tpu.memory_space<semaphore_mem>>)
            %dma_wait3A_389 = arith.constant 0 : i32
            %dma_wait3A_390 = tpu.memref_slice %arg8[%add3A_362, %dma_wait3A_389] : memref<8x4096xf32, #tpu.memory_space<vmem>> -> memref<1x4096xf32, #tpu.memory_space<vmem>>
            %dma_wait3A_391 = arith.constant 0 : i32
            %dma_wait3A_392 = tpu.memref_slice %arg4[%add3A_380, %dma_wait3A_391] : memref<2048x4096xf32, #tpu.memory_space<hbm>> -> memref<1x4096xf32, #tpu.memory_space<hbm>>
            %dma_wait3A_393 = arith.constant 0 : i32
            %dma_wait3A_394 = tpu.memref_slice %arg8[%add3A_362, %dma_wait3A_393] : memref<8x4096xf32, #tpu.memory_space<vmem>> -> memref<1x4096xf32, #tpu.memory_space<vmem>>
            %dma_wait3A_395 = arith.constant 0 : i32
            %dma_wait3A_396 = tpu.memref_slice %arg4[%add3A_380, %dma_wait3A_395] : memref<2048x4096xf32, #tpu.memory_space<hbm>> -> memref<1x4096xf32, #tpu.memory_space<hbm>>
            tpu.wait_dma2 semaphore(%run_scoped3A : memref<!tpu.dma_semaphore, #tpu.memory_space<semaphore_mem>>) src(%dma_wait3A_396 : memref<1x4096xf32, #tpu.memory_space<hbm>>) dst(%dma_wait3A_394 : memref<1x4096xf32, #tpu.memory_space<vmem>>)
            tpu.yield
          }) : () -> ()
        } else {
        }
      }
      %scan3A_357 = arith.constant 8 : i32
    } else {
    }
    %add3A_336 = arith.constant 56 : i32
    %add3A_337 = arith.addi %mul3A_2, %add3A_336 : i32
    %dma_start3A_338 = arith.constant 0 : i32
    %dma_start3A_339 = tpu.memref_slice %arg5[%add3A_337, %dma_start3A_338] : memref<2048x4096xf32, #tpu.memory_space<hbm>> -> memref<8x4096xf32, #tpu.memory_space<hbm>>
    %dma_start3A_340 = arith.constant 0 : i32
    %dma_start3A_341 = tpu.memref_slice %arg5[%add3A_337, %dma_start3A_340] : memref<2048x4096xf32, #tpu.memory_space<hbm>> -> memref<8x4096xf32, #tpu.memory_space<hbm>>
    tpu.enqueue_dma source(%arg8 : memref<8x4096xf32, #tpu.memory_space<vmem>>) target(%dma_start3A_341 : memref<8x4096xf32, #tpu.memory_space<hbm>>) target_semaphore(%arg12 : memref<!tpu.dma_semaphore, #tpu.memory_space<semaphore_mem>>)
    %add3A_342 = arith.constant 48 : i32
    %add3A_343 = arith.addi %mul3A_2, %add3A_342 : i32
    %dma_wait3A_344 = arith.constant 0 : i32
    %dma_wait3A_345 = tpu.memref_slice %arg5[%add3A_343, %dma_wait3A_344] : memref<2048x4096xf32, #tpu.memory_space<hbm>> -> memref<8x4096xf32, #tpu.memory_space<hbm>>
    %dma_wait3A_346 = arith.constant 0 : i32
    %dma_wait3A_347 = tpu.memref_slice %arg5[%add3A_343, %dma_wait3A_346] : memref<2048x4096xf32, #tpu.memory_space<hbm>> -> memref<8x4096xf32, #tpu.memory_space<hbm>>
    tpu.wait_dma2 semaphore(%arg11 : memref<!tpu.dma_semaphore, #tpu.memory_space<semaphore_mem>>) src(%arg7 : memref<8x4096xf32, #tpu.memory_space<vmem>>) dst(%dma_wait3A_347 : memref<8x4096xf32, #tpu.memory_space<hbm>>)
    %add3A_348 = arith.constant 56 : i32
    %add3A_349 = arith.addi %mul3A_2, %add3A_348 : i32
    %dma_wait3A_350 = arith.constant 0 : i32
    %dma_wait3A_351 = tpu.memref_slice %arg5[%add3A_349, %dma_wait3A_350] : memref<2048x4096xf32, #tpu.memory_space<hbm>> -> memref<8x4096xf32, #tpu.memory_space<hbm>>
    %dma_wait3A_352 = arith.constant 0 : i32
    %dma_wait3A_353 = tpu.memref_slice %arg5[%add3A_349, %dma_wait3A_352] : memref<2048x4096xf32, #tpu.memory_space<hbm>> -> memref<8x4096xf32, #tpu.memory_space<hbm>>
    tpu.wait_dma2 semaphore(%arg12 : memref<!tpu.dma_semaphore, #tpu.memory_space<semaphore_mem>>) src(%arg8 : memref<8x4096xf32, #tpu.memory_space<vmem>>) dst(%dma_wait3A_353 : memref<8x4096xf32, #tpu.memory_space<hbm>>)
    return
  }
}

</mosaic_0001>

<sc_bundles>
// kernel: kernel.3.cloned.1.call-start
scs
__scs_entry_jumppad:
0x0: {  	(pc) =	sbr.rel $0x88, $3  }
0x1: {  	(tag) =	ssettag $0x0;
	lr =	simm.s32 $0x1  }
0x2: {  	[smem:$0x3F9E] =	sst lr;
	_ =	strace $0xD0000000  }
0x3: {  	_ = 	snop  }
0x4: {  	_ = 	snop  }
0x5: {  	_ = 	snop  }
0x6: {  	_ = 	snop  }
0x7: {  	_ = 	snop  }
__scs_overlays_trampoline_lowered:
0x8: {  	[smem:$0x3FAD] =	sst s0  }
0x9: {  	[smem:$0x3FAE] =	sst s1  }
0xa: {  	[smem:$0x3FAF] =	sst s2  }
0xb: {  	[smem:$0x3FB0] =	sst s3  }
0xc: {  	[smem:$0x3FB1] =	sst s4  }
0xd: {  	[smem:$0x3FB2] =	sst s5  }
0xe: {  	[smem:$0x3FB3] =	sst s6  }
0xf: {  	[smem:$0x3FB4] =	sst s7  }
0x10: {  	[smem:$0x3FB5] =	sst s8  }
0x11: {  	[smem:$0x3FB6] =	sst s9;
	s0 =	simm.s32 @!p0 $0x0  }
0x12: {  	s1 =	sld [smem:$0x3F9C];
	s0 =	simm.s32 @p0 $0x1  }
0x13: {  	[smem:$0x3FB7] =	sst s0;
	s0 =	simm.s32 @!p1 $0x0  }
0x14: {  	s2 =	sld [smem:$0x3F9B];
	s0 =	simm.s32 @p1 $0x1  }
0x15: {  	[smem:$0x3FB8] =	sst s0;
	s0 =	simm.s32 @!p2 $0x0  }
0x16: {  	s3 =	sld [smem:$0x3FDB];
	s0 =	simm.s32 @p2 $0x1  }
0x17: {  	s4 =	simm.s32 $0x1BF5;
	[smem:$0x3FBA] =	sst s0  }
0x18: {  	s0 =	sld [smem:$0x3F9D];
	_ =	swait.ge [sflag:s4], $0x0  }
0x19: {  	s7 =	sld [smem:$0x3F9E]  }
0x1a: {  	s8 =	sadd.s32 $0xFFFFE003, lr  }
0x1b: {  	s9 =	sadd.s32 $0xFFFFFEF7, lr;
	s5 =	simm.s32 $0xFFFFFFFF;
	p2 =	slt.u32 s8, $0xFFFFF086  }
0x1c: {  	p1 =	slt.u32 s9, $0xF7A;
	s5 =	simm.s32 @!p2 $0x0  }
0x1d: {  	s5 =	simm.s32 @p1 $0x1;
	p0 =	seq.s32 s7, s2  }
0x1e: {  	s7 =	smul.u32 @!p0 $0xF7A, s2;
	p2 =	seq.s32 @!p0 s5, $0x0  }
0x1f: {  	s9 =	smul.u32 $0xF7A, s1;
	s8 =	simm.s32 @!p0 $0x1BF5;
	p2 =	por !p2, p0  }
0x20: {  	[sflag:s8] =	ssyncset.s32 @!p0 $0xFFFFF086;
	s6 =	sadd.s32 @!p0 s3, s7;
	s7 =	simm.s32 @!p0 $0x108  }
0x21: {  	s3 =	sadd.s32 s3, s9;
	s6 =	sadd.s32 @!p0 $0x88, s6;
	s7 =	simm.s32 @p2 $0x1082  }
0x22: {  	[simem:s7], [sflag:s8] =	dma.local @!p0 [hbm:s6], $0xF7A  }
0x23: {  	s9 =	sor.u32 $0xD0000000, s2;
	s6 =	simm.s32 $0x108;
	_ =	swait.ge @!p0 [sflag:s8], $0x0  }
0x24: {  	s3 =	sadd.s32 $0x88, s3;
	s6 =	simm.s32 @!p1 $0x1082;
	[sflag:s4] =	ssyncset.s32 $0xFFFFF086  }
0x25: {  	[simem:s6], [sflag:s4] =	dma.local [hbm:s3], $0xF7A  }
0x26: {  	[smem:$0x3F9E] =	sst s1;
	(tag) =	ssettag s2;
	_ =	strace s9  }
0x27: {  	s1 =	sld [smem:$0x3FAE]  }
0x28: {  	s2 =	sld [smem:$0x3FAF]  }
0x29: {  	s4 =	sld [smem:$0x3FB1]  }
0x2a: {  	p0 =	seq.s32 s5, $0x0;
	s5 =	sld [smem:$0x3FB2]  }
0x2b: {  	s6 =	sld [smem:$0x3FB3]  }
0x2c: {  	s7 =	sld [smem:$0x3FB4]  }
0x2d: {  	s3 =	simm.s32 $0x108;
	s8 =	sld [smem:$0x3FB5]  }
0x2e: {  	s3 =	simm.s32 @!p0 $0x1082;
	s9 =	sld [smem:$0x3FB6]  }
0x2f: {  	lr =	sadd.s32 s0, s3;
	s0 =	sld [smem:$0x3FAD]  }
0x30: {  	s3 =	sld [smem:$0x3FB0]  }
0x31: {  	[smem:$0x3FB9] =	sst s10  }
0x32: {  	s10 =	sld [smem:$0x3FB7];
	_ =	sdelay $0x3  }
0x33: {  	p0 =	seq.s32 s10, $0x1;
	s10 =	sld [smem:$0x3FB9];
	_ =	sdelay $0x3  }
0x34: {  	[smem:$0x3FB9] =	sst s10  }
0x35: {  	s10 =	sld [smem:$0x3FB8];
	_ =	sdelay $0x3  }
0x36: {  	p1 =	seq.s32 s10, $0x1;
	s10 =	sld [smem:$0x3FB9];
	_ =	sdelay $0x3  }
0x37: {  	[smem:$0x3FB9] =	sst s10  }
0x38: {  	s10 =	sld [smem:$0x3FBA]  }
0x39: {  	_ = 	snop;
	(pc) =	sbr.ind lr, $3  }
0x3a: {  	_ = 	snop  }
0x3b: {  	_ = 	snop  }
0x3c: {  	p2 =	seq.s32 s10, $0x1;
	s10 =	sld [smem:$0x3FB9]  }
0x3d: {  	_ =	shalt  }
0x3e: {  	_ =	shalt  }
0x3f: {  	_ =	shalt  }
0x40: {  	_ =	shalt  }
0x41: {  	_ =	shalt  }
0x42: {  	_ =	shalt  }
0x43: {  	_ =	shalt  }
0x44: {  	_ =	shalt  }
0x45: {  	_ =	shalt  }
0x46: {  	_ =	shalt  }
0x47: {  	_ =	shalt  }
0x48: {  	_ =	shalt  }
0x49: {  	_ =	shalt  }
0x4a: {  	_ =	shalt  }
0x4b: {  	_ =	shalt  }
0x4c: {  	_ =	shalt  }
0x4d: {  	_ =	shalt  }
0x4e: {  	_ =	shalt  }
0x4f: {  	_ =	shalt  }
0x50: {  	_ =	shalt  }
0x51: {  	_ =	shalt  }
0x52: {  	_ =	shalt  }
0x53: {  	_ =	shalt  }
0x54: {  	_ =	shalt  }
0x55: {  	_ =	shalt  }
0x56: {  	_ =	shalt  }
0x57: {  	_ =	shalt  }
0x58: {  	_ =	shalt  }
0x59: {  	_ =	shalt  }
0x5a: {  	_ =	shalt  }
0x5b: {  	_ =	shalt  }
0x5c: {  	_ =	shalt  }
0x5d: {  	_ =	shalt  }
0x5e: {  	_ =	shalt  }
0x5f: {  	_ =	shalt  }
0x60: {  	_ =	shalt  }
0x61: {  	_ =	shalt  }
0x62: {  	_ =	shalt  }
0x63: {  	_ =	shalt  }
0x64: {  	_ =	shalt  }
0x65: {  	_ =	shalt  }
0x66: {  	_ =	shalt  }
0x67: {  	_ =	shalt  }
0x68: {  	_ =	shalt  }
0x69: {  	_ =	shalt  }
0x6a: {  	_ =	shalt  }
0x6b: {  	_ =	shalt  }
0x6c: {  	_ =	shalt  }
0x6d: {  	_ =	shalt  }
0x6e: {  	_ =	shalt  }
0x6f: {  	_ =	shalt  }
0x70: {  	_ =	shalt  }
0x71: {  	_ =	shalt  }
0x72: {  	_ =	shalt  }
0x73: {  	_ =	shalt  }
0x74: {  	_ =	shalt  }
0x75: {  	_ =	shalt  }
0x76: {  	_ =	shalt  }
0x77: {  	_ =	shalt  }
0x78: {  	_ =	shalt  }
0x79: {  	_ =	shalt  }
0x7a: {  	_ =	shalt  }
0x7b: {  	_ =	shalt  }
0x7c: {  	_ =	shalt  }
0x7d: {  	_ =	shalt  }
0x7e: {  	_ =	shalt  }
0x7f: {  	_ =	shalt  }
0x80: {  	_ =	shalt  }
0x81: {  	_ =	shalt  }
0x82: {  	_ =	shalt  }
0x83: {  	_ =	shalt  }
0x84: {  	_ =	shalt  }
0x85: {  	_ =	shalt  }
0x86: {  	_ =	shalt  }
0x87: {  	_ =	shalt  }
.Lfunc_end0:
.L_simem_size_0:
called_computation_lowered:
.L_overlay_start_0:
0x88: {  	s2 =	sld [smem:$0x3FD9]  }
0x89: {  	s3 =	sld [smem:$0x3FFE];
	_ =	sdelay $0x1  }
0x8a: {  	s1 =	srdreg.scid  }
0x8b: {  	s0 =	sand.u32 $0x1, s1  }
0x8c: {  	s17 =	sshll.u32 s0, $0xA;
	s2 =	sadd.s32 s3, s2  }
0x8d: {  	s2 =	sadd.s32 s2, s17  }
0x8e: {  	[smem:$0x3FC5] =	sst s2  }
0x8f: {  	_ = 	snop  }
0x90: {  	s2 =	sld [smem:$0x3FC9]  }
0x91: {  	s18 =	sld [smem:$0x3FC8]  }
0x92: {  	s4 =	sld [smem:$0x3FD0];
	(tm) =	ssettm $0x1  }
0x93: {  	s5 =	sld [smem:$0x3FFB];
	_ =	sdelay $0x3  }
0x94: {  	_ =	strace s5  }
0x95: {  	s5 =	sld [smem:$0x3FFC];
	_ =	sdelay $0x3  }
0x96: {  	_ =	strace s5  }
0x97: {  	s5 =	sld [smem:$0x3FFD];
	_ =	sdelay $0x3  }
0x98: {  	_ =	strace s5  }
0x99: {  	_ =	strace $0x8FFFFFFF  }
0x9a: {  	s19 =	sld [smem:$0x3FDB];
	_ =	sdelay $0x1  }
0x9b: {  	s6 =	simm.s32 $_scs_section_size  }
0x9c: {  	s7 =	simm.s32 $_size__tile_overlayer_lowered;
	s8 =	simm.s32 $_tile_overlayer_lowered  }
0x9d: {  	s22 =	simm.s32 $0x1BFF;
	s21 =	sshll.u32 s8, $0x1;
	s5 =	sadd.s32 s6, s19  }
0x9e: {  	s9 =	simm.s32 $0x0;
	s20 =	sshll.u32 s7, $0x1;
	s7 =	sadd.s32 s21, s5  }
0x9f: {  	[timem:s9], [sflag:s22] =	dma.local [hbm:s7], s20  }
0xa0: {  	_ =	swait.ge [sflag:s22], s20  }
0xa1: {  	s6 =	ssub.s32 $0x0, s20;
	[sflag:s22] =	ssyncset.done $0x0  }
0xa2: {  	[sflag:s22] =	ssyncadd.s32 s6;
	_ =	sdelay $0x1  }
0xa3: {  	s23 =	simm.s32 $0x1B8B  }
0xa4: {  	_ =	swait.ge [sflag:s23], $0x1  }
0xa5: {  	[sflag:s23] =	ssyncset.done $0x0  }
0xa6: {  	s25 =	simm.s32 $0x1B8E;
	s24 =	sld [smem:$0x3FFE];
	[sflag:s23] =	ssyncadd.s32 $0xFFFFFFFF  }
0xa7: {  	s26 =	simm.s32 $execute0_lowered;
	[smem:$0x3FD2] =	sst s25  }
0xa8: {  	s7 =	sshll.u32 s26, $0x1;
	_ =	strace $0x80000046;
	[dreg:$0x1] =	wrdreg $0xFFFFFFFF  }
0xa9: {  	s28 =	simm.s32 $_size_execute0_lowered;
	s5 =	sadd.s32 s5, s7;
	[dreg:$0x0] =	wrdreg $0x0  }
0xaa: {  	s7 =	sshll.u32 s28, $0x1;
	[dreg:$0x2] =	wrdreg s5  }
0xab: {  	[dreg:$0x3] =	wrdreg s7  }
0xac: {  	[dreg:$0x4] =	wrdreg $0xC0  }
0xad: {  	_ =	task [dreg:s9], $0x5FFFF  }
0xae: {  	[dreg:$0x1] =	wrdreg $0xFFFFFFFF  }
0xaf: {  	[dreg:$0x0] =	wrdreg $0x60  }
0xb0: {  	[dreg:$0x2] =	wrdreg s24  }
0xb1: {  	[dreg:$0x3] =	wrdreg s18  }
0xb2: {  	[dreg:$0x4] =	wrdreg s2  }
0xb3: {  	[dreg:$0x5] =	wrdreg s4  }
0xb4: {  	[dreg:$0x6] =	wrdreg $0x9  }
0xb5: {  	_ =	task.clear_ibuf [dreg:s9], $0x7FFFF;
	_ =	strace $0x90000046  }
0xb6: {  	s29 =	simm.s32 $0x9;
	_ =	strace $0x80000048  }
0xb7: {  	_ =	swait.ge [sflag:s29], $0x1  }
0xb8: {  	[sflag:s29] =	ssyncadd.s32 $0xFFFFFFFF  }
0xb9: {  	_ =	strace $0x90000048  }
0xba: {  	_ =	sfence  }
0xbb: {  	s30 =	sld [smem:$0x0];
	_ =	sdelay $0x2  }
0xbc: {  	s31 =	sshll.u32 s1, $0xD;
	s1 =	sshrl.u32 s1, $0x2  }
0xbd: {  	s3 =	sand.u32 $0x4000, s31;
	s1 =	sadd.s32 s1, s30  }
0xbe: {  	s0 =	sor.u32 s3, s0;
	s1 =	sshll.u32 s1, $0x11  }
0xbf: {  	s0 =	sor.u32 s1, s0  }
0xc0: {  	s0 =	sadd.s32 $0x8F2B, s0  }
0xc1: {  	[sflag:s0] =	ssyncadd.remote.s32 $0x1  }
0xc2: {  	_ =	sfence.sel $0xFFFF  }
0xc3: {  	[dreg:$0x0] =	wrdreg $0xFFFFFFFF;
	(pc) =	sbr.abs _section_cstart, $3  }
0xc4: {  	[dreg:$0x1] =	wrdreg $0xFFFFFFFF  }
0xc5: {  	_ =	task.clear_ibuf [dreg:s9], $0x2FFFF;
	_ =	strace $0x9FFFFFFF  }
0xc6: {  	(tm) =	ssettm $0x7FFFFFFF  }
0xc7: {  	_ =	shalt  }
tec
execute0_lowered:
.L_overlay_start_1:
0x0: {  	(tag) =	ssettag $0x1  }
0x1: {  	s0 =	rddreg [dreg:$0x0]  }
0x2: {  	s1 =	srdreg.scid;
	s2 =	rddreg [dreg:$0x1]  }
0x3: {  	s4 =	stileid.u32;
	s5 =	rddreg [dreg:$0x2]  }
0x4: {  	s7 =	rddreg [dreg:$0x3];
	s30 =	simm.s32 $0x5;
	s3 =	sand.u32 $0x1, s1  }
0x5: {  	s31 =	simm.s32 $0x80;
	s4 =	sshll.u32 s4, $0x7;
	s6 =	sshll.u32 s3, $0x6  }
0x6: {  	s1 =	simm.s32 $0x0;
	s3 =	ssub.s32 $0x2, s3;
	s4 =	sor.u32 s6, s4  }
0x7: {  	[smem:$0x7FF] =	sst s1;
	s16 =	sshrl.u32 s3, $0x1;
	s6 =	sshrl.u32 s4, $0x3  }
0x8: {  	s8 =	sshll.u32 s4, $0x9;
	s3 =	ssub.s32 s3, s16;
	s0 =	sadd.s32 s6, s0  }
0x9: {  	s4 =	sadd.s32 s2, s8;
	s9 =	sor.u32 $0x1000, s8;
	s10 =	sor.u32 $0x2000, s8  }
0xa: {  	s11 =	sor.u32 $0x3000, s8;
	s13 =	sor.u32 $0x4000, s8;
	s22 =	sor.u32 $0x5000, s8  }
0xb: {  	s25 =	sor.u32 $0x6000, s8;
	s26 =	sadd.s32 s7, s8;
	s29 =	smax.u32 s3, $0x1  }
0xc: {  	s3 =	simm.s32 $0x2;
	[dreg:$0x5] =	wrdreg s4;
	s17 =	sadd.s32 s2, s9  }
0xd: {  	s4 =	sadd.s32 s5, s8;
	s18 =	sadd.s32 s2, s10;
	[dreg:$0x10] =	wrdreg s26  }
0xe: {  	s6 =	sadd.s32 s5, s9;
	s9 =	sadd.s32 s7, s9;
	[dreg:$0x6] =	wrdreg s17  }
0xf: {  	s19 =	sadd.s32 s2, s11;
	s20 =	sadd.s32 s2, s13;
	[dreg:$0x7] =	wrdreg s18  }
0x10: {  	s12 =	sadd.s32 s5, s11;
	s21 =	sadd.s32 s7, s11;
	[dreg:$0x8] =	wrdreg s9  }
0x11: {  	s23 =	sadd.s32 s2, s22;
	s15 =	sadd.s32 s5, s13;
	[dreg:$0x9] =	wrdreg s19  }
0x12: {  	s24 =	sadd.s32 s7, s13;
	s8 =	sor.u32 $0x7000, s8;
	[dreg:$0xb] =	wrdreg s20  }
0x13: {  	s28 =	sadd.s32 $0x400, s0;
	s0 =	simm.s32 $0x1;
	[dreg:$0xc] =	wrdreg s21  }
0x14: {  	s9 =	sadd.s32 s5, s10;
	s10 =	sadd.s32 s7, s10;
	[dreg:$0xd] =	wrdreg s23  }
0x15: {  	[dreg:$0xe] =	wrdreg s24;
	s17 =	sadd.s32 s5, s22;
	s21 =	sadd.s32 s2, s25  }
.Ltmp0:
0x16: {  	s23 =	sadd.s32 s5, s25;
	s24 =	sadd.s32 s7, s25;
	(pc) =	sbr.rel .LBB2_1-.Ltmp0, $4  }
0x17: {  	s25 =	sadd.s32 s5, s8;
	s26 =	sadd.s32 s7, s8;
	s20 =	simm.s32 $0x8080  }
0x18: {  	s5 =	simm.s32 $0x4;
	[dreg:$0xa] =	wrdreg s10;
	s10 =	sadd.s32 s7, s22  }
0x19: {  	s22 =	sadd.s32 s2, s8;
	s2 =	simm.s32 $0x3;
	[dreg:$0xf] =	wrdreg s10  }
0x1a: {  	vm0 =	vmmov $0xff;
	v0 =	vlaneseq.u32;
	s7 =	simm.s32 $0x6;
	s8 =	simm.s32 $0x0;
	_ =	strace $0x80000047  }
.LBB2_57:
0x1b: {  	[hbm4b:s26+s1] =	stream.linear.scatter [tilespmem:s20], [sflag:$0x4], $0x8000, $0x38;
	[tilespmem:$0x10080] =	vst v63  }
0x1c: {  	s8 =	sadd.s32 $0x1, s8  }
0x1d: {  	_ =	swait.ge [sflag:s2], $0x8000;
	p0 =	sne.s32 s8, s29  }
.Ltmp1:
0x1e: {  	[sflag:s2] =	ssyncset.done $0x0;
	(pc) =	sbr.rel @!p0 .LBB2_58-.Ltmp1, $4  }
0x1f: {  	[sflag:s2] =	ssyncadd.s32 $0xFFFF8000  }
0x20: {  	_ =	swait.ge [sflag:s5], $0x8000  }
0x21: {  	[sflag:s5] =	ssyncset.done $0x0  }
0x22: {  	[sflag:s5] =	ssyncadd.s32 $0xFFFF8000  }
.LBB2_1:
0x23: {  	[tilespmem:s1], [sflag:$0x5] =	stream.linear.gather [hbm4b:s28+s1], $0x40, $0x38;
	[tilespmem:$0x10080] =	vst v63  }
0x24: {  	_ =	swait.ge [sflag:s30], $0x40  }
0x25: {  	[sflag:s30] =	ssyncset.done $0x0  }
0x26: {  	s10 =	rddreg [dreg:$0x5];
	[sflag:s30] =	ssyncadd.s32 $0xFFFFFFC0  }
0x27: {  	[tilespmem:s31], [sflag:$0x1] =	stream.linear.gather [hbm4b:s10+s1], $0x8000, $0x38;
	[tilespmem:$0x10080] =	vst v63  }
0x28: {  	s18 =	rddreg [dreg:$0x6]  }
0x29: {  	[tilespmem:s20], [sflag:$0x2] =	stream.linear.gather [hbm4b:s18+s1], $0x8000, $0x38;
	[tilespmem:$0x10080] =	vst v63  }
0x2a: {  	_ =	swait.ge [sflag:s0], $0x8000  }
0x2b: {  	[sflag:s0] =	ssyncset.done $0x0  }
0x2c: {  	[sflag:s0] =	ssyncadd.s32 $0xFFFF8000  }
0x2d: {  	v1 =	vld [tilespmem:$0x0];
	_ =	sdelay $0x4  }
0x2e: {  	v2 =	vnsel vm0, $0x0, v1  }
0x2f: {  	(xrf0) =	vadd.scan.msk.s32 $0xffff, v2;
	_ =	sdelay $0x5  }
0x30: {  	v2, _, _ =	vpop (xrf0)  }
0x31: {  	(v2sf) =	vpush v2, $0xF;
	_ =	sdelay $0xe  }
0x32: {  	s19 =	spop (v2sf)  }
0x33: {  	p0 =	seq.s32 s19, $0x8  }
.Ltmp2:
0x34: {  	_ = 	snop;
	(pc) =	sbr.rel @!p0 .LBB2_2-.Ltmp2, $1  }
0x35: {  	_ =	sdelay $0x3  }
.LBB2_8:
0x36: {  	s10 =	rddreg [dreg:$0x10]  }
0x37: {  	[hbm4b:s10+s1] =	stream.linear.scatter [tilespmem:s31], [sflag:$0x3], $0x8000, $0x38;
	[tilespmem:$0x10080] =	vst v63  }
0x38: {  	_ =	swait.ge [sflag:s2], $0x8000  }
0x39: {  	[sflag:s2] =	ssyncset.done $0x0  }
0x3a: {  	s18 =	rddreg [dreg:$0x7];
	[sflag:s2] =	ssyncadd.s32 $0xFFFF8000  }
0x3b: {  	[tilespmem:s31], [sflag:$0x1] =	stream.linear.gather [hbm4b:s18+s1], $0x8000, $0x38;
	[tilespmem:$0x10080] =	vst v63  }
0x3c: {  	_ =	swait.ge [sflag:s3], $0x8000  }
0x3d: {  	[sflag:s3] =	ssyncset.done $0x0  }
0x3e: {  	[sflag:s3] =	ssyncadd.s32 $0xFFFF8000  }
0x3f: {  	v1 =	vld [tilespmem:$0x0];
	_ =	sdelay $0x4  }
0x40: {  	v2 =	vsel vm0, $0x0, v1  }
0x41: {  	(xrf0) =	vadd.scan.msk.s32 $0xffff, v2;
	_ =	sdelay $0x5  }
0x42: {  	v2, _, _ =	vpop (xrf0)  }
0x43: {  	(v2sf) =	vpush v2, $0xF;
	_ =	sdelay $0xe  }
0x44: {  	s19 =	spop (v2sf)  }
0x45: {  	p0 =	seq.s32 s19, $0x8  }
.Ltmp3:
0x46: {  	_ = 	snop;
	(pc) =	sbr.rel @!p0 .LBB2_9-.Ltmp3, $1  }
0x47: {  	_ =	sdelay $0x3  }
.LBB2_15:
0x48: {  	s10 =	rddreg [dreg:$0x8]  }
0x49: {  	[hbm4b:s10+s1] =	stream.linear.scatter [tilespmem:s20], [sflag:$0x4], $0x8000, $0x38;
	[tilespmem:$0x10080] =	vst v63  }
0x4a: {  	_ =	swait.ge [sflag:s5], $0x8000  }
0x4b: {  	[sflag:s5] =	ssyncset.done $0x0  }
0x4c: {  	s18 =	rddreg [dreg:$0x9];
	[sflag:s5] =	ssyncadd.s32 $0xFFFF8000  }
0x4d: {  	[tilespmem:s20], [sflag:$0x2] =	stream.linear.gather [hbm4b:s18+s1], $0x8000, $0x38;
	[tilespmem:$0x10080] =	vst v63  }
0x4e: {  	_ =	swait.ge [sflag:s0], $0x8000  }
0x4f: {  	[sflag:s0] =	ssyncset.done $0x0  }
0x50: {  	[sflag:s0] =	ssyncadd.s32 $0xFFFF8000  }
0x51: {  	v1 =	vld [tilespmem:$0x10];
	_ =	sdelay $0x4  }
0x52: {  	v2 =	vnsel vm0, $0x0, v1  }
0x53: {  	(xrf0) =	vadd.scan.msk.s32 $0xffff, v2;
	_ =	sdelay $0x5  }
0x54: {  	v2, _, _ =	vpop (xrf0)  }
0x55: {  	(v2sf) =	vpush v2, $0xF;
	_ =	sdelay $0xe  }
0x56: {  	s19 =	spop (v2sf)  }
0x57: {  	p0 =	seq.s32 s19, $0x8  }
.Ltmp4:
0x58: {  	_ = 	snop;
	(pc) =	sbr.rel @!p0 .LBB2_16-.Ltmp4, $1  }
0x59: {  	_ =	sdelay $0x3  }
.LBB2_22:
0x5a: {  	s10 =	rddreg [dreg:$0xa]  }
0x5b: {  	[hbm4b:s10+s1] =	stream.linear.scatter [tilespmem:s31], [sflag:$0x3], $0x8000, $0x38;
	[tilespmem:$0x10080] =	vst v63  }
0x5c: {  	_ =	swait.ge [sflag:s2], $0x8000  }
0x5d: {  	[sflag:s2] =	ssyncset.done $0x0  }
0x5e: {  	s18 =	rddreg [dreg:$0xb];
	[sflag:s2] =	ssyncadd.s32 $0xFFFF8000  }
0x5f: {  	[tilespmem:s31], [sflag:$0x1] =	stream.linear.gather [hbm4b:s18+s1], $0x8000, $0x38;
	[tilespmem:$0x10080] =	vst v63  }
0x60: {  	_ =	swait.ge [sflag:s3], $0x8000  }
0x61: {  	[sflag:s3] =	ssyncset.done $0x0  }
0x62: {  	[sflag:s3] =	ssyncadd.s32 $0xFFFF8000  }
0x63: {  	v1 =	vld [tilespmem:$0x10];
	_ =	sdelay $0x4  }
0x64: {  	v2 =	vsel vm0, $0x0, v1  }
0x65: {  	(xrf0) =	vadd.scan.msk.s32 $0xffff, v2;
	_ =	sdelay $0x5  }
0x66: {  	v2, _, _ =	vpop (xrf0)  }
0x67: {  	(v2sf) =	vpush v2, $0xF;
	_ =	sdelay $0xe  }
0x68: {  	s19 =	spop (v2sf)  }
0x69: {  	p0 =	seq.s32 s19, $0x8  }
.Ltmp5:
0x6a: {  	_ = 	snop;
	(pc) =	sbr.rel @!p0 .LBB2_23-.Ltmp5, $1  }
0x6b: {  	_ =	sdelay $0x3  }
.LBB2_29:
0x6c: {  	s10 =	rddreg [dreg:$0xc]  }
0x6d: {  	[hbm4b:s10+s1] =	stream.linear.scatter [tilespmem:s20], [sflag:$0x4], $0x8000, $0x38;
	[tilespmem:$0x10080] =	vst v63  }
0x6e: {  	_ =	swait.ge [sflag:s5], $0x8000  }
0x6f: {  	[sflag:s5] =	ssyncset.done $0x0  }
0x70: {  	s18 =	rddreg [dreg:$0xd];
	[sflag:s5] =	ssyncadd.s32 $0xFFFF8000  }
0x71: {  	[tilespmem:s20], [sflag:$0x2] =	stream.linear.gather [hbm4b:s18+s1], $0x8000, $0x38;
	[tilespmem:$0x10080] =	vst v63  }
0x72: {  	_ =	swait.ge [sflag:s0], $0x8000  }
0x73: {  	[sflag:s0] =	ssyncset.done $0x0  }
0x74: {  	[sflag:s0] =	ssyncadd.s32 $0xFFFF8000  }
0x75: {  	v1 =	vld [tilespmem:$0x20];
	_ =	sdelay $0x4  }
0x76: {  	v2 =	vnsel vm0, $0x0, v1  }
0x77: {  	(xrf0) =	vadd.scan.msk.s32 $0xffff, v2;
	_ =	sdelay $0x5  }
0x78: {  	v2, _, _ =	vpop (xrf0)  }
0x79: {  	(v2sf) =	vpush v2, $0xF;
	_ =	sdelay $0xe  }
0x7a: {  	s19 =	spop (v2sf)  }
0x7b: {  	p0 =	seq.s32 s19, $0x8  }
.Ltmp6:
0x7c: {  	_ = 	snop;
	(pc) =	sbr.rel @!p0 .LBB2_30-.Ltmp6, $1  }
0x7d: {  	_ =	sdelay $0x3  }
.LBB2_36:
0x7e: {  	s10 =	rddreg [dreg:$0xe]  }
0x7f: {  	[hbm4b:s10+s1] =	stream.linear.scatter [tilespmem:s31], [sflag:$0x3], $0x8000, $0x38;
	[tilespmem:$0x10080] =	vst v63  }
0x80: {  	_ =	swait.ge [sflag:s2], $0x8000  }
0x81: {  	[sflag:s2] =	ssyncset.done $0x0  }
0x82: {  	[sflag:s2] =	ssyncadd.s32 $0xFFFF8000  }
0x83: {  	[tilespmem:s31], [sflag:$0x1] =	stream.linear.gather [hbm4b:s21+s1], $0x8000, $0x38;
	[tilespmem:$0x10080] =	vst v63  }
0x84: {  	_ =	swait.ge [sflag:s3], $0x8000  }
0x85: {  	[sflag:s3] =	ssyncset.done $0x0  }
0x86: {  	[sflag:s3] =	ssyncadd.s32 $0xFFFF8000  }
0x87: {  	v1 =	vld [tilespmem:$0x20];
	_ =	sdelay $0x4  }
0x88: {  	v2 =	vsel vm0, $0x0, v1  }
0x89: {  	(xrf0) =	vadd.scan.msk.s32 $0xffff, v2;
	_ =	sdelay $0x5  }
0x8a: {  	v2, _, _ =	vpop (xrf0)  }
0x8b: {  	(v2sf) =	vpush v2, $0xF;
	_ =	sdelay $0xe  }
0x8c: {  	s19 =	spop (v2sf)  }
0x8d: {  	p0 =	seq.s32 s19, $0x8  }
.Ltmp7:
0x8e: {  	_ = 	snop;
	(pc) =	sbr.rel @!p0 .LBB2_37-.Ltmp7, $1  }
0x8f: {  	_ =	sdelay $0x3  }
.LBB2_43:
0x90: {  	s10 =	rddreg [dreg:$0xf]  }
0x91: {  	[hbm4b:s10+s1] =	stream.linear.scatter [tilespmem:s20], [sflag:$0x4], $0x8000, $0x38;
	[tilespmem:$0x10080] =	vst v63  }
0x92: {  	_ =	swait.ge [sflag:s5], $0x8000  }
0x93: {  	[sflag:s5] =	ssyncset.done $0x0  }
0x94: {  	[sflag:s5] =	ssyncadd.s32 $0xFFFF8000  }
0x95: {  	[tilespmem:s20], [sflag:$0x2] =	stream.linear.gather [hbm4b:s22+s1], $0x8000, $0x38;
	[tilespmem:$0x10080] =	vst v63  }
0x96: {  	_ =	swait.ge [sflag:s0], $0x8000  }
0x97: {  	[sflag:s0] =	ssyncset.done $0x0  }
0x98: {  	[sflag:s0] =	ssyncadd.s32 $0xFFFF8000  }
0x99: {  	v1 =	vld [tilespmem:$0x30];
	_ =	sdelay $0x4  }
0x9a: {  	v2 =	vnsel vm0, $0x0, v1  }
0x9b: {  	(xrf0) =	vadd.scan.msk.s32 $0xffff, v2;
	_ =	sdelay $0x5  }
0x9c: {  	v2, _, _ =	vpop (xrf0)  }
0x9d: {  	(v2sf) =	vpush v2, $0xF;
	_ =	sdelay $0xe  }
0x9e: {  	s19 =	spop (v2sf)  }
0x9f: {  	p0 =	seq.s32 s19, $0x8  }
.Ltmp8:
0xa0: {  	_ = 	snop;
	(pc) =	sbr.rel @!p0 .LBB2_44-.Ltmp8, $1  }
0xa1: {  	_ =	sdelay $0x3  }
.LBB2_50:
0xa2: {  	[hbm4b:s24+s1] =	stream.linear.scatter [tilespmem:s31], [sflag:$0x3], $0x8000, $0x38;
	[tilespmem:$0x10080] =	vst v63  }
0xa3: {  	_ =	swait.ge [sflag:s3], $0x8000  }
0xa4: {  	[sflag:s3] =	ssyncset.done $0x0  }
0xa5: {  	[sflag:s3] =	ssyncadd.s32 $0xFFFF8000  }
0xa6: {  	v1 =	vld [tilespmem:$0x30];
	_ =	sdelay $0x4  }
0xa7: {  	v2 =	vsel vm0, $0x0, v1  }
0xa8: {  	(xrf0) =	vadd.scan.msk.s32 $0xffff, v2;
	_ =	sdelay $0x5  }
0xa9: {  	v2, _, _ =	vpop (xrf0)  }
0xaa: {  	(v2sf) =	vpush v2, $0xF;
	_ =	sdelay $0xe  }
0xab: {  	s10 =	spop (v2sf)  }
0xac: {  	p0 =	seq.s32 s10, $0x8  }
.Ltmp9:
0xad: {  	_ = 	snop;
	(pc) =	sbr.rel @p0 .LBB2_57-.Ltmp9, $1  }
0xae: {  	_ =	sdelay $0x3  }
.Ltmp10:
0xaf: {  	(pc) =	sbr.rel .LBB2_52-.Ltmp10, $2  }
0xb0: {  	_ =	sdelay $0x2  }
0xb1: {  	s10 =	simm.s32 $0x0;
	s11 =	simm.s32 $0x8080  }
.LBB2_56:
0xb2: {  	s10 =	sadd.s32 $0x1, s10  }
0xb3: {  	p0 =	sne.s32 s10, $0x8  }
.Ltmp11:
0xb4: {  	_ = 	snop;
	(pc) =	sbr.rel @!p0 .LBB2_57-.Ltmp11, $2  }
0xb5: {  	_ =	sdelay $0x2  }
0xb6: {  	s11 =	sadd.s32 $0x80, s11  }
.LBB2_52:
0xb7: {  	s13 =	sor.u32 $0x8, s10  }
0xb8: {  	v2 =	vmov s13  }
0xb9: {  	vm1 =	veq.s32 v2, v0  }
0xba: {  	v2 =	vnsel vm1, $0x0, v1  }
0xbb: {  	(xrf0) =	vadd.scan.msk.s32 $0xffff, v2;
	_ =	sdelay $0x5  }
0xbc: {  	v2, _, _ =	vpop (xrf0)  }
0xbd: {  	(v2sf) =	vpush v2, $0xF;
	_ =	sdelay $0xe  }
0xbe: {  	s19 =	spop (v2sf)  }
0xbf: {  	p0 =	sne.s32 s19, $0x0  }
.Ltmp12:
0xc0: {  	_ = 	snop;
	(pc) =	sbr.rel @p0 .LBB2_56-.Ltmp12, $1  }
0xc1: {  	_ =	sdelay $0x3  }
0xc2: {  	s13 =	sshll.u32 s10, $0x4  }
0xc3: {  	s14 =	simm.s32 $0x80;
	s13 =	sadd.s32 s13, s25  }
0xc4: {  	s16 =	sadd.s32 $0x400, s11;
	s18 =	smov.u32 s11;
	s19 =	sadd.s32 $0x0, s13  }
.LBB2_54:
0xc5: {  	[tilespmem:s18], [sflag:$0x6] =	stream.linear.gather [hbm4b:s19+s1], $0x80, $0x38;
	[tilespmem:$0x10080] =	vst v63  }
0xc6: {  	s19 =	smov.u32 s14;
	s18 =	smov.u32 s16;
	p0 =	sne.s32 s14, $0xF80  }
.Ltmp13:
0xc7: {  	s14 =	sadd.s32 $0x80, s14;
	(pc) =	sbr.rel @p0 .LBB2_54-.Ltmp13, $2  }
0xc8: {  	_ =	sdelay $0x2  }
0xc9: {  	s16 =	sadd.s32 $0x400, s16;
	s19 =	sadd.s32 s19, s13  }
.Ltmp14:
0xca: {  	(pc) =	sbr.rel .LBB2_56-.Ltmp14, $4  }
0xcb: {  	[tilespmem:s18], [sflag:$0x6] =	stream.linear.gather [hbm4b:s19+s1], $0x80, $0x38;
	[tilespmem:$0x10080] =	vst v63  }
0xcc: {  	_ =	swait.ge [sflag:s7], $0x1000  }
0xcd: {  	[sflag:s7] =	ssyncset.done $0x0  }
0xce: {  	[sflag:s7] =	ssyncadd.s32 $0xFFFFF000  }
.LBB2_2:
.Ltmp15:
0xcf: {  	(pc) =	sbr.rel .LBB2_3-.Ltmp15, $2  }
0xd0: {  	_ =	sdelay $0x2  }
0xd1: {  	s10 =	simm.s32 $0x0;
	s18 =	simm.s32 $0x80  }
.LBB2_7:
0xd2: {  	s10 =	sadd.s32 $0x1, s10  }
0xd3: {  	p0 =	sne.s32 s10, $0x8  }
.Ltmp16:
0xd4: {  	_ = 	snop;
	(pc) =	sbr.rel @!p0 .LBB2_8-.Ltmp16, $2  }
0xd5: {  	_ =	sdelay $0x2  }
0xd6: {  	s18 =	sadd.s32 $0x80, s18  }
.LBB2_3:
0xd7: {  	v2 =	vmov s10  }
0xd8: {  	vm1 =	veq.s32 v2, v0  }
0xd9: {  	v2 =	vnsel vm1, $0x0, v1  }
0xda: {  	(xrf0) =	vadd.scan.msk.s32 $0xffff, v2;
	_ =	sdelay $0x5  }
0xdb: {  	v2, _, _ =	vpop (xrf0)  }
0xdc: {  	(v2sf) =	vpush v2, $0xF;
	_ =	sdelay $0xe  }
0xdd: {  	s11 =	spop (v2sf)  }
0xde: {  	p0 =	sne.s32 s11, $0x0  }
.Ltmp17:
0xdf: {  	_ = 	snop;
	(pc) =	sbr.rel @p0 .LBB2_7-.Ltmp17, $1  }
0xe0: {  	_ =	sdelay $0x3  }
0xe1: {  	s11 =	sshll.u32 s10, $0x4  }
0xe2: {  	s14 =	simm.s32 $0x80;
	s13 =	sadd.s32 s11, s4  }
0xe3: {  	s16 =	sadd.s32 $0x400, s18;
	s11 =	smov.u32 s18;
	s19 =	sadd.s32 $0x0, s13  }
.LBB2_5:
0xe4: {  	[tilespmem:s11], [sflag:$0x6] =	stream.linear.gather [hbm4b:s19+s1], $0x80, $0x38;
	[tilespmem:$0x10080] =	vst v63  }
0xe5: {  	s19 =	smov.u32 s14;
	s11 =	smov.u32 s16;
	p0 =	sne.s32 s14, $0xF80  }
.Ltmp18:
0xe6: {  	s14 =	sadd.s32 $0x80, s14;
	(pc) =	sbr.rel @p0 .LBB2_5-.Ltmp18, $2  }
0xe7: {  	_ =	sdelay $0x2  }
0xe8: {  	s16 =	sadd.s32 $0x400, s16;
	s19 =	sadd.s32 s19, s13  }
.Ltmp19:
0xe9: {  	(pc) =	sbr.rel .LBB2_7-.Ltmp19, $4  }
0xea: {  	[tilespmem:s11], [sflag:$0x6] =	stream.linear.gather [hbm4b:s19+s1], $0x80, $0x38;
	[tilespmem:$0x10080] =	vst v63  }
0xeb: {  	_ =	swait.ge [sflag:s7], $0x1000  }
0xec: {  	[sflag:s7] =	ssyncset.done $0x0  }
0xed: {  	[sflag:s7] =	ssyncadd.s32 $0xFFFFF000  }
.LBB2_9:
.Ltmp20:
0xee: {  	(pc) =	sbr.rel .LBB2_10-.Ltmp20, $2  }
0xef: {  	_ =	sdelay $0x2  }
0xf0: {  	s10 =	simm.s32 $0x0;
	s11 =	simm.s32 $0x8080  }
.LBB2_14:
0xf1: {  	s10 =	sadd.s32 $0x1, s10  }
0xf2: {  	p0 =	sne.s32 s10, $0x8  }
.Ltmp21:
0xf3: {  	_ = 	snop;
	(pc) =	sbr.rel @!p0 .LBB2_15-.Ltmp21, $2  }
0xf4: {  	_ =	sdelay $0x2  }
0xf5: {  	s11 =	sadd.s32 $0x80, s11  }
.LBB2_10:
0xf6: {  	s13 =	sor.u32 $0x8, s10  }
0xf7: {  	v2 =	vmov s13  }
0xf8: {  	vm1 =	veq.s32 v2, v0  }
0xf9: {  	v2 =	vnsel vm1, $0x0, v1  }
0xfa: {  	(xrf0) =	vadd.scan.msk.s32 $0xffff, v2;
	_ =	sdelay $0x5  }
0xfb: {  	v2, _, _ =	vpop (xrf0)  }
0xfc: {  	(v2sf) =	vpush v2, $0xF;
	_ =	sdelay $0xe  }
0xfd: {  	s19 =	spop (v2sf)  }
0xfe: {  	p0 =	sne.s32 s19, $0x0  }
.Ltmp22:
0xff: {  	_ = 	snop;
	(pc) =	sbr.rel @p0 .LBB2_14-.Ltmp22, $1  }
0x100: {  	_ =	sdelay $0x3  }
0x101: {  	s13 =	sshll.u32 s10, $0x4  }
0x102: {  	s14 =	simm.s32 $0x80;
	s13 =	sadd.s32 s13, s6  }
0x103: {  	s16 =	sadd.s32 $0x400, s11;
	s18 =	smov.u32 s11;
	s19 =	sadd.s32 $0x0, s13  }
.LBB2_12:
0x104: {  	[tilespmem:s18], [sflag:$0x6] =	stream.linear.gather [hbm4b:s19+s1], $0x80, $0x38;
	[tilespmem:$0x10080] =	vst v63  }
0x105: {  	s19 =	smov.u32 s14;
	s18 =	smov.u32 s16;
	p0 =	sne.s32 s14, $0xF80  }
.Ltmp23:
0x106: {  	s14 =	sadd.s32 $0x80, s14;
	(pc) =	sbr.rel @p0 .LBB2_12-.Ltmp23, $2  }
0x107: {  	_ =	sdelay $0x2  }
0x108: {  	s16 =	sadd.s32 $0x400, s16;
	s19 =	sadd.s32 s19, s13  }
.Ltmp24:
0x109: {  	(pc) =	sbr.rel .LBB2_14-.Ltmp24, $4  }
0x10a: {  	[tilespmem:s18], [sflag:$0x6] =	stream.linear.gather [hbm4b:s19+s1], $0x80, $0x38;
	[tilespmem:$0x10080] =	vst v63  }
0x10b: {  	_ =	swait.ge [sflag:s7], $0x1000  }
0x10c: {  	[sflag:s7] =	ssyncset.done $0x0  }
0x10d: {  	[sflag:s7] =	ssyncadd.s32 $0xFFFFF000  }
.LBB2_16:
.Ltmp25:
0x10e: {  	(pc) =	sbr.rel .LBB2_17-.Ltmp25, $2  }
0x10f: {  	_ =	sdelay $0x2  }
0x110: {  	s10 =	simm.s32 $0x0;
	s11 =	simm.s32 $0x80  }
.LBB2_21:
0x111: {  	s10 =	sadd.s32 $0x1, s10  }
0x112: {  	p0 =	sne.s32 s10, $0x8  }
.Ltmp26:
0x113: {  	_ = 	snop;
	(pc) =	sbr.rel @!p0 .LBB2_22-.Ltmp26, $2  }
0x114: {  	_ =	sdelay $0x2  }
0x115: {  	s11 =	sadd.s32 $0x80, s11  }
.LBB2_17:
0x116: {  	v2 =	vmov s10  }
0x117: {  	vm1 =	veq.s32 v2, v0  }
0x118: {  	v2 =	vnsel vm1, $0x0, v1  }
0x119: {  	(xrf0) =	vadd.scan.msk.s32 $0xffff, v2;
	_ =	sdelay $0x5  }
0x11a: {  	v2, _, _ =	vpop (xrf0)  }
0x11b: {  	(v2sf) =	vpush v2, $0xF;
	_ =	sdelay $0xe  }
0x11c: {  	s13 =	spop (v2sf)  }
0x11d: {  	p0 =	sne.s32 s13, $0x0  }
.Ltmp27:
0x11e: {  	_ = 	snop;
	(pc) =	sbr.rel @p0 .LBB2_21-.Ltmp27, $1  }
0x11f: {  	_ =	sdelay $0x3  }
0x120: {  	s13 =	sshll.u32 s10, $0x4  }
0x121: {  	s14 =	simm.s32 $0x80;
	s13 =	sadd.s32 s13, s9  }
0x122: {  	s16 =	sadd.s32 $0x400, s11;
	s18 =	smov.u32 s11;
	s19 =	sadd.s32 $0x0, s13  }
.LBB2_19:
0x123: {  	[tilespmem:s18], [sflag:$0x6] =	stream.linear.gather [hbm4b:s19+s1], $0x80, $0x38;
	[tilespmem:$0x10080] =	vst v63  }
0x124: {  	s19 =	smov.u32 s14;
	s18 =	smov.u32 s16;
	p0 =	sne.s32 s14, $0xF80  }
.Ltmp28:
0x125: {  	s14 =	sadd.s32 $0x80, s14;
	(pc) =	sbr.rel @p0 .LBB2_19-.Ltmp28, $2  }
0x126: {  	_ =	sdelay $0x2  }
0x127: {  	s16 =	sadd.s32 $0x400, s16;
	s19 =	sadd.s32 s19, s13  }
.Ltmp29:
0x128: {  	(pc) =	sbr.rel .LBB2_21-.Ltmp29, $4  }
0x129: {  	[tilespmem:s18], [sflag:$0x6] =	stream.linear.gather [hbm4b:s19+s1], $0x80, $0x38;
	[tilespmem:$0x10080] =	vst v63  }
0x12a: {  	_ =	swait.ge [sflag:s7], $0x1000  }
0x12b: {  	[sflag:s7] =	ssyncset.done $0x0  }
0x12c: {  	[sflag:s7] =	ssyncadd.s32 $0xFFFFF000  }
.LBB2_23:
.Ltmp30:
0x12d: {  	(pc) =	sbr.rel .LBB2_24-.Ltmp30, $2  }
0x12e: {  	_ =	sdelay $0x2  }
0x12f: {  	s10 =	simm.s32 $0x0;
	s11 =	simm.s32 $0x8080  }
.LBB2_28:
0x130: {  	s10 =	sadd.s32 $0x1, s10  }
0x131: {  	p0 =	sne.s32 s10, $0x8  }
.Ltmp31:
0x132: {  	_ = 	snop;
	(pc) =	sbr.rel @!p0 .LBB2_29-.Ltmp31, $2  }
0x133: {  	_ =	sdelay $0x2  }
0x134: {  	s11 =	sadd.s32 $0x80, s11  }
.LBB2_24:
0x135: {  	s13 =	sor.u32 $0x8, s10  }
0x136: {  	v2 =	vmov s13  }
0x137: {  	vm1 =	veq.s32 v2, v0  }
0x138: {  	v2 =	vnsel vm1, $0x0, v1  }
0x139: {  	(xrf0) =	vadd.scan.msk.s32 $0xffff, v2;
	_ =	sdelay $0x5  }
0x13a: {  	v2, _, _ =	vpop (xrf0)  }
0x13b: {  	(v2sf) =	vpush v2, $0xF;
	_ =	sdelay $0xe  }
0x13c: {  	s19 =	spop (v2sf)  }
0x13d: {  	p0 =	sne.s32 s19, $0x0  }
.Ltmp32:
0x13e: {  	_ = 	snop;
	(pc) =	sbr.rel @p0 .LBB2_28-.Ltmp32, $1  }
0x13f: {  	_ =	sdelay $0x3  }
0x140: {  	s13 =	sshll.u32 s10, $0x4  }
0x141: {  	s14 =	simm.s32 $0x80;
	s13 =	sadd.s32 s13, s12  }
0x142: {  	s16 =	sadd.s32 $0x400, s11;
	s18 =	smov.u32 s11;
	s19 =	sadd.s32 $0x0, s13  }
.LBB2_26:
0x143: {  	[tilespmem:s18], [sflag:$0x6] =	stream.linear.gather [hbm4b:s19+s1], $0x80, $0x38;
	[tilespmem:$0x10080] =	vst v63  }
0x144: {  	s19 =	smov.u32 s14;
	s18 =	smov.u32 s16;
	p0 =	sne.s32 s14, $0xF80  }
.Ltmp33:
0x145: {  	s14 =	sadd.s32 $0x80, s14;
	(pc) =	sbr.rel @p0 .LBB2_26-.Ltmp33, $2  }
0x146: {  	_ =	sdelay $0x2  }
0x147: {  	s16 =	sadd.s32 $0x400, s16;
	s19 =	sadd.s32 s19, s13  }
.Ltmp34:
0x148: {  	(pc) =	sbr.rel .LBB2_28-.Ltmp34, $4  }
0x149: {  	[tilespmem:s18], [sflag:$0x6] =	stream.linear.gather [hbm4b:s19+s1], $0x80, $0x38;
	[tilespmem:$0x10080] =	vst v63  }
0x14a: {  	_ =	swait.ge [sflag:s7], $0x1000  }
0x14b: {  	[sflag:s7] =	ssyncset.done $0x0  }
0x14c: {  	[sflag:s7] =	ssyncadd.s32 $0xFFFFF000  }
.LBB2_30:
.Ltmp35:
0x14d: {  	(pc) =	sbr.rel .LBB2_31-.Ltmp35, $2  }
0x14e: {  	_ =	sdelay $0x2  }
0x14f: {  	s10 =	simm.s32 $0x0;
	s11 =	simm.s32 $0x80  }
.LBB2_35:
0x150: {  	s10 =	sadd.s32 $0x1, s10  }
0x151: {  	p0 =	sne.s32 s10, $0x8  }
.Ltmp36:
0x152: {  	_ = 	snop;
	(pc) =	sbr.rel @!p0 .LBB2_36-.Ltmp36, $2  }
0x153: {  	_ =	sdelay $0x2  }
0x154: {  	s11 =	sadd.s32 $0x80, s11  }
.LBB2_31:
0x155: {  	v2 =	vmov s10  }
0x156: {  	vm1 =	veq.s32 v2, v0  }
0x157: {  	v2 =	vnsel vm1, $0x0, v1  }
0x158: {  	(xrf0) =	vadd.scan.msk.s32 $0xffff, v2;
	_ =	sdelay $0x5  }
0x159: {  	v2, _, _ =	vpop (xrf0)  }
0x15a: {  	(v2sf) =	vpush v2, $0xF;
	_ =	sdelay $0xe  }
0x15b: {  	s13 =	spop (v2sf)  }
0x15c: {  	p0 =	sne.s32 s13, $0x0  }
.Ltmp37:
0x15d: {  	_ = 	snop;
	(pc) =	sbr.rel @p0 .LBB2_35-.Ltmp37, $1  }
0x15e: {  	_ =	sdelay $0x3  }
0x15f: {  	s13 =	sshll.u32 s10, $0x4  }
0x160: {  	s14 =	simm.s32 $0x80;
	s13 =	sadd.s32 s13, s15  }
0x161: {  	s16 =	sadd.s32 $0x400, s11;
	s18 =	smov.u32 s11;
	s19 =	sadd.s32 $0x0, s13  }
.LBB2_33:
0x162: {  	[tilespmem:s18], [sflag:$0x6] =	stream.linear.gather [hbm4b:s19+s1], $0x80, $0x38;
	[tilespmem:$0x10080] =	vst v63  }
0x163: {  	s19 =	smov.u32 s14;
	s18 =	smov.u32 s16;
	p0 =	sne.s32 s14, $0xF80  }
.Ltmp38:
0x164: {  	s14 =	sadd.s32 $0x80, s14;
	(pc) =	sbr.rel @p0 .LBB2_33-.Ltmp38, $2  }
0x165: {  	_ =	sdelay $0x2  }
0x166: {  	s16 =	sadd.s32 $0x400, s16;
	s19 =	sadd.s32 s19, s13  }
.Ltmp39:
0x167: {  	(pc) =	sbr.rel .LBB2_35-.Ltmp39, $4  }
0x168: {  	[tilespmem:s18], [sflag:$0x6] =	stream.linear.gather [hbm4b:s19+s1], $0x80, $0x38;
	[tilespmem:$0x10080] =	vst v63  }
0x169: {  	_ =	swait.ge [sflag:s7], $0x1000  }
0x16a: {  	[sflag:s7] =	ssyncset.done $0x0  }
0x16b: {  	[sflag:s7] =	ssyncadd.s32 $0xFFFFF000  }
.LBB2_37:
.Ltmp40:
0x16c: {  	(pc) =	sbr.rel .LBB2_38-.Ltmp40, $2  }
0x16d: {  	_ =	sdelay $0x2  }
0x16e: {  	s10 =	simm.s32 $0x0;
	s11 =	simm.s32 $0x8080  }
.LBB2_42:
0x16f: {  	s10 =	sadd.s32 $0x1, s10  }
0x170: {  	p0 =	sne.s32 s10, $0x8  }
.Ltmp41:
0x171: {  	_ = 	snop;
	(pc) =	sbr.rel @!p0 .LBB2_43-.Ltmp41, $2  }
0x172: {  	_ =	sdelay $0x2  }
0x173: {  	s11 =	sadd.s32 $0x80, s11  }
.LBB2_38:
0x174: {  	s13 =	sor.u32 $0x8, s10  }
0x175: {  	v2 =	vmov s13  }
0x176: {  	vm1 =	veq.s32 v2, v0  }
0x177: {  	v2 =	vnsel vm1, $0x0, v1  }
0x178: {  	(xrf0) =	vadd.scan.msk.s32 $0xffff, v2;
	_ =	sdelay $0x5  }
0x179: {  	v2, _, _ =	vpop (xrf0)  }
0x17a: {  	(v2sf) =	vpush v2, $0xF;
	_ =	sdelay $0xe  }
0x17b: {  	s19 =	spop (v2sf)  }
0x17c: {  	p0 =	sne.s32 s19, $0x0  }
.Ltmp42:
0x17d: {  	_ = 	snop;
	(pc) =	sbr.rel @p0 .LBB2_42-.Ltmp42, $1  }
0x17e: {  	_ =	sdelay $0x3  }
0x17f: {  	s13 =	sshll.u32 s10, $0x4  }
0x180: {  	s14 =	simm.s32 $0x80;
	s13 =	sadd.s32 s13, s17  }
0x181: {  	s16 =	sadd.s32 $0x400, s11;
	s18 =	smov.u32 s11;
	s19 =	sadd.s32 $0x0, s13  }
.LBB2_40:
0x182: {  	[tilespmem:s18], [sflag:$0x6] =	stream.linear.gather [hbm4b:s19+s1], $0x80, $0x38;
	[tilespmem:$0x10080] =	vst v63  }
0x183: {  	s19 =	smov.u32 s14;
	s18 =	smov.u32 s16;
	p0 =	sne.s32 s14, $0xF80  }
.Ltmp43:
0x184: {  	s14 =	sadd.s32 $0x80, s14;
	(pc) =	sbr.rel @p0 .LBB2_40-.Ltmp43, $2  }
0x185: {  	_ =	sdelay $0x2  }
0x186: {  	s16 =	sadd.s32 $0x400, s16;
	s19 =	sadd.s32 s19, s13  }
.Ltmp44:
0x187: {  	(pc) =	sbr.rel .LBB2_42-.Ltmp44, $4  }
0x188: {  	[tilespmem:s18], [sflag:$0x6] =	stream.linear.gather [hbm4b:s19+s1], $0x80, $0x38;
	[tilespmem:$0x10080] =	vst v63  }
0x189: {  	_ =	swait.ge [sflag:s7], $0x1000  }
0x18a: {  	[sflag:s7] =	ssyncset.done $0x0  }
0x18b: {  	[sflag:s7] =	ssyncadd.s32 $0xFFFFF000  }
.LBB2_44:
.Ltmp45:
0x18c: {  	(pc) =	sbr.rel .LBB2_45-.Ltmp45, $2  }
0x18d: {  	_ =	sdelay $0x2  }
0x18e: {  	s10 =	simm.s32 $0x0;
	s11 =	simm.s32 $0x80  }
.LBB2_49:
0x18f: {  	s10 =	sadd.s32 $0x1, s10  }
0x190: {  	p0 =	sne.s32 s10, $0x8  }
.Ltmp46:
0x191: {  	_ = 	snop;
	(pc) =	sbr.rel @!p0 .LBB2_50-.Ltmp46, $2  }
0x192: {  	_ =	sdelay $0x2  }
0x193: {  	s11 =	sadd.s32 $0x80, s11  }
.LBB2_45:
0x194: {  	v2 =	vmov s10  }
0x195: {  	vm1 =	veq.s32 v2, v0  }
0x196: {  	v2 =	vnsel vm1, $0x0, v1  }
0x197: {  	(xrf0) =	vadd.scan.msk.s32 $0xffff, v2;
	_ =	sdelay $0x5  }
0x198: {  	v2, _, _ =	vpop (xrf0)  }
0x199: {  	(v2sf) =	vpush v2, $0xF;
	_ =	sdelay $0xe  }
0x19a: {  	s13 =	spop (v2sf)  }
0x19b: {  	p0 =	sne.s32 s13, $0x0  }
.Ltmp47:
0x19c: {  	_ = 	snop;
	(pc) =	sbr.rel @p0 .LBB2_49-.Ltmp47, $1  }
0x19d: {  	_ =	sdelay $0x3  }
0x19e: {  	s13 =	sshll.u32 s10, $0x4  }
0x19f: {  	s14 =	simm.s32 $0x80;
	s13 =	sadd.s32 s13, s23  }
0x1a0: {  	s16 =	sadd.s32 $0x400, s11;
	s18 =	smov.u32 s11;
	s19 =	sadd.s32 $0x0, s13  }
.LBB2_47:
0x1a1: {  	[tilespmem:s18], [sflag:$0x6] =	stream.linear.gather [hbm4b:s19+s1], $0x80, $0x38;
	[tilespmem:$0x10080] =	vst v63  }
0x1a2: {  	s19 =	smov.u32 s14;
	s18 =	smov.u32 s16;
	p0 =	sne.s32 s14, $0xF80  }
.Ltmp48:
0x1a3: {  	s14 =	sadd.s32 $0x80, s14;
	(pc) =	sbr.rel @p0 .LBB2_47-.Ltmp48, $2  }
0x1a4: {  	_ =	sdelay $0x2  }
0x1a5: {  	s16 =	sadd.s32 $0x400, s16;
	s19 =	sadd.s32 s19, s13  }
.Ltmp49:
0x1a6: {  	(pc) =	sbr.rel .LBB2_49-.Ltmp49, $4  }
0x1a7: {  	[tilespmem:s18], [sflag:$0x6] =	stream.linear.gather [hbm4b:s19+s1], $0x80, $0x38;
	[tilespmem:$0x10080] =	vst v63  }
0x1a8: {  	_ =	swait.ge [sflag:s7], $0x1000  }
0x1a9: {  	[sflag:s7] =	ssyncset.done $0x0  }
0x1aa: {  	[sflag:s7] =	ssyncadd.s32 $0xFFFFF000  }
.LBB2_58:
0x1ab: {  	_ =	sfence.sel $0x180000  }
0x1ac: {  	[bflag:$0x0] =	sbarrier.arrive $0xFFFF  }
0x1ad: {  	_ =	strace $0x90000047  }
0x1ae: {  	s0 =	stileid.u32;
	[bflag:$0x2] =	sbarrier.arrive $0xFFFF  }
0x1af: {  	p0 =	sne.s32 s0, $0x0;
	s0 =	rddreg [dreg:$0x4]  }
0x1b0: {  	s0 =	sadd.s32 @!p0 $0x100000, s0  }
0x1b1: {  	[sflag:s0] =	ssyncadd.tile.s32 @!p0 $0x1;
	_ =	shalt  }
.Lfunc_end2:
_tile_overlayer_lowered:
.L_overlay_start_2:
0x1b2: {  	(tag) =	ssettag $0x2  }
0x1b3: {  	s0 =	rddreg [dreg:$0x0];
	s2 =	stileid.u32  }
0x1b4: {  	s1 =	rddreg [dreg:$0x1];
	p0 =	sne.s32 s2, $0x0  }
0x1b5: {  	s3 =	rddreg [dreg:$0x2];
	[bflag:$0x3] =	sbarrier.arrive $0xFFFF;
	s2 =	simm.s32 @!p0 $0x1C06  }
0x1b6: {  	[timem:s3], [sflag:s2] =	dma.local @!p0 [hbm:s0], s1  }
0x1b7: {  	s0 =	simm.s32 @!p0 $0x6  }
0x1b8: {  	_ =	swait.ge @!p0 [sflag:s0], s1  }
0x1b9: {  	s1 =	ssub.s32 @!p0 $0x0, s1;
	[sflag:s0] =	ssyncset.done @!p0 $0x0  }
0x1ba: {  	[sflag:s0] =	ssyncadd.s32 @!p0 s1  }
0x1bb: {  	[bflag:$0x3] =	sbarrier.arrive $0xFFFF  }
0x1bc: {  	_ =	shalt  }

</sc_bundles>
